<compile_context>
chip_gen: v7x
topology: tpu7x:2x2x1
jax: 0.10.2.dev20260603
libtpu: 0.0.44.dev20260713+nightly
codegen_flags: <defaults>
</compile_context>

<pallas_src>
import functools

import jax
import jax.numpy as jnp
from jax import lax
from jax.experimental import pallas as pl
from jax.experimental.pallas import tpu as pltpu
from jax.experimental.pallas import tpu_sc as plsc

EMB_DIM = 32
HIST = 50
BATCH = 16384
VOCAB = 1000000
NIDX = BATCH * HIST
NCORE = 2
NSUB = 16
PERCORE = NIDX // NCORE
PERSUB = PERCORE // NSUB
CHUNK = 4000
NCHUNK = VOCAB // CHUNK


RCHUNK = 12800
NFULL = VOCAB // RCHUNK
VMAIN = NFULL * RCHUNK + 1536
VTAIL = VOCAB - VMAIN
NITEM = 2 * (NFULL + 1)


@jax.jit
def _sc_relayout(table_t):
    mesh = plsc.VectorSubcoreMesh(core_axis_name="c", subcore_axis_name="s")

    @functools.partial(
        pl.kernel,
        out_type=jax.ShapeDtypeStruct((EMB_DIM * VOCAB,), jnp.float32),
        mesh=mesh,
        scratch_types=[
            pltpu.VMEM((8, RCHUNK), jnp.float32),
            pltpu.VMEM((RCHUNK,), jnp.float32),
            pltpu.VMEM((RCHUNK,), jnp.float32),
            pltpu.SemaphoreType.DMA,
        ],
    )
    def relayout_kernel(tab_hbm, flat_hbm, blk, obuf0, obuf1, sem):
        core = lax.axis_index("c")
        s = lax.axis_index("s")

        @pl.loop(0, NITEM // NSUB + (1 if NITEM % NSUB else 0))
        def _(k):
            i = k * NSUB + s

            @pl.when(i < NITEM)
            def _():
                tc = core * 2 + i // (NFULL + 1)
                j = i % (NFULL + 1)

                obufs = (obuf0, obuf1)

                @pl.when(j < NFULL)
                def _():
                    voff = j * RCHUNK
                    pltpu.sync_copy(
                        tab_hbm.at[pl.ds(8 * tc, 8), pl.ds(voff, RCHUNK)], blk
                    )
                    for r in range(8):
                        ob = obufs[r % 2]
                        if r >= 2:
                            pltpu.make_async_copy(
                                ob,
                                flat_hbm.at[pl.ds(
                                    (8 * tc + r - 2) * VOCAB + voff, RCHUNK
                                )],
                                sem,
                            ).wait()

                        @pl.loop(0, RCHUNK // 64)
                        def _(k):
                            for u in range(4):
                                o = k * 64 + u * 16
                                ob[pl.ds(o, 16)] = blk[r, pl.ds(o, 16)]

                        pltpu.async_copy(
                            ob,
                            flat_hbm.at[
                                pl.ds((8 * tc + r) * VOCAB + voff, RCHUNK)
                            ],
                            sem,
                        )
                    for r in (6, 7):
                        pltpu.make_async_copy(
                            obufs[r % 2],
                            flat_hbm.at[
                                pl.ds((8 * tc + r) * VOCAB + voff, RCHUNK)
                            ],
                            sem,
                        ).wait()

                @pl.when(j == NFULL)
                def _():
                    voff, ln = NFULL * RCHUNK, 1536
                    pltpu.sync_copy(
                        tab_hbm.at[pl.ds(8 * tc, 8), pl.ds(voff, ln)],
                        blk.at[:, pl.ds(0, ln)],
                    )
                    for r in range(8):
                        @pl.loop(0, ln // 16)
                        def _(k):
                            obuf0[pl.ds(k * 16, 16)] = (
                                blk[r, pl.ds(k * 16, 16)]
                            )

                        pltpu.sync_copy(
                            obuf0.at[pl.ds(0, ln)],
                            flat_hbm.at[
                                pl.ds((8 * tc + r) * VOCAB + voff, ln)
                            ],
                        )

    return relayout_kernel(table_t)


PERSTAGE = VMAIN // NSUB
SCH = 5208
NSCH = PERSTAGE // SCH


@jax.jit
def _sc_embed(table_flat, aux, x_flat):
    mesh = plsc.VectorSubcoreMesh(core_axis_name="c", subcore_axis_name="s")

    @functools.partial(
        pl.kernel,
        out_type=jax.ShapeDtypeStruct((HIST * EMB_DIM * BATCH,), jnp.float32),
        mesh=mesh,
        scratch_types=[
            pltpu.VMEM((PERSUB,), jnp.int32),
            pltpu.VMEM((PERSUB,), jnp.float32),
            pltpu.VMEM((SCH,), jnp.float32),
            pltpu.VMEM((SCH,), jnp.float32),
            pltpu.VMEM_SHARED((VOCAB,), jnp.float32),
            pltpu.SemaphoreType.DMA,
            pltpu.SemaphoreType.DMA,
            pltpu.SemaphoreType.DMA,
        ],
    )
    def embed_kernel(tab_hbm, aux_hbm, xf_hbm, out_hbm, idx_v, rows_v,
                     b0, b1, spmem, semh, sems, semw):
        core = lax.axis_index("c")
        s = lax.axis_index("s")
        h0 = core * (HIST // NCORE)
        bcol = s * (BATCH // NSUB)
        BB = BATCH // NSUB
        v0 = s * PERSTAGE

        for i in range(HIST // NCORE):
            pltpu.sync_copy(
                xf_hbm.at[pl.ds((h0 + i) * BATCH + bcol, BB)],
                idx_v.at[pl.ds(i * BB, BB)],
            )

        def odst(i, cc):
            return out_hbm.at[
                pl.ds(((h0 + i) * EMB_DIM + cc) * BATCH + bcol, BB)
            ]

        @pl.loop(0, EMB_DIM)
        def _(c):
            bufs = (b0, b1)

            def hsrc(m):
                return tab_hbm.at[pl.ds(c * VOCAB + v0 + m * SCH, SCH)]

            def sdst(m):
                return spmem.at[pl.ds(v0 + m * SCH, SCH)]

            hc = pltpu.async_copy(hsrc(0), b0, semh)
            s_hand = [None, None]
            for m in range(NSCH):
                bcur = bufs[m % 2]
                hc.wait()
                if m + 1 < NSCH:
                    bnext = bufs[(m + 1) % 2]
                    if s_hand[(m + 1) % 2] is not None:
                        s_hand[(m + 1) % 2].wait()
                    hc = pltpu.async_copy(hsrc(m + 1), bnext, semh)
                s_hand[m % 2] = pltpu.async_copy(bcur, sdst(m), sems)
            for h in s_hand:
                h.wait()

            @pl.when(s == 0)
            def _():
                pltpu.sync_copy(
                    aux_hbm.at[pl.ds(c * VTAIL, VTAIL)],
                    b0.at[pl.ds(0, VTAIL)],
                )
                pltpu.sync_copy(
                    b0.at[pl.ds(0, VTAIL)],
                    spmem.at[pl.ds(VMAIN, VTAIL)],
                )

            plsc.subcore_barrier()

            @pl.when(c > 0)
            def _():
                for i in range(HIST // NCORE):
                    pltpu.make_async_copy(
                        rows_v.at[pl.ds(i * BB, BB)], odst(i, c - 1), semw
                    ).wait()

            pltpu.sync_copy(spmem.at[idx_v], rows_v)
            for i in range(HIST // NCORE):
                pltpu.async_copy(
                    rows_v.at[pl.ds(i * BB, BB)], odst(i, c), semw
                )

            plsc.subcore_barrier()

        for i in range(HIST // NCORE):
            pltpu.make_async_copy(
                rows_v.at[pl.ds(i * BB, BB)], odst(i, EMB_DIM - 1), semw
            ).wait()

    return embed_kernel(table_flat, aux, x_flat)


def kernel(x, table):
    table_flat = _sc_relayout(table.T)
    aux = table.T[:, VMAIN:].reshape(EMB_DIM * VTAIL)
    x_t = x.astype(jnp.int32).T.reshape(NIDX)
    out = _sc_embed(table_flat, aux, x_t)
    out = out.reshape(HIST, EMB_DIM, BATCH)
    return jnp.transpose(out, (2, 0, 1))

# --- scband reference (transcript-rebuilt; emitter-appended) ---
"""Pipeline reference for scband-embedder-41858751267397 (READ-ONLY COPY).

The authoritative reference and input builder live on the scoring server;
editing this copy changes nothing except your own understanding.
"""

import jax, jax.numpy as jnp
import numpy as np

VOCAB = 1000000
EMB_DIM = 32
BATCH = 16384
HIST = 50

def setup_inputs(seed: int = 0) -> dict:
    key = jax.random.key(seed)
    k_idx, k_tab = jax.random.split(key)
    x = jax.random.randint(k_idx, (BATCH, HIST), 0, VOCAB, dtype=jnp.int64 if jax.config.jax_enable_x64 else jnp.int32)
    table = jax.random.normal(k_tab, (VOCAB, EMB_DIM), dtype=jnp.float32)
    # padding_idx=0: torch initializes that row to zeros
    table = table.at[0].set(0.0)
    return {"x": x, "table": table}

def reference(x, table):
    # nn.Embedding(vocab, dim, padding_idx=0)(x.long())
    idx = x.astype(jnp.int32)
    return jnp.take(table, idx, axis=0)

if __name__ == "__main__":
    import jax
    _d = setup_inputs()
    print(jax.jit(kernel)(*tuple(_d.values())))

</pallas_src>

<mosaic_0001>
#map = affine_map<(d0, d1) -> (0, 0)>
#map1 = affine_map<(d0, d1) -> (0)>
module attributes {stable_mosaic.version = 14 : i64} {
  func.func @relayout_kernel(%arg0: i32, %arg1: i32, %arg2: memref<32x1000000xf32, #tpu.memory_space<hbm>>, %arg3: memref<32000000xf32, #tpu.memory_space<hbm>>, %arg4: memref<8x12800xf32, #tpu.memory_space<vmem>>, %arg5: memref<12800xf32, #tpu.memory_space<vmem>>, %arg6: memref<12800xf32, #tpu.memory_space<vmem>>, %arg7: memref<!tpu.dma_semaphore, #tpu.memory_space<semaphore_mem>>) attributes {dimension_semantics = [#tpu.dimension_semantics<core_parallel>, #tpu.dimension_semantics<subcore_parallel>], iteration_bounds = array<i64: 2, 16>, scalar_prefetch = 0 : i64, scratch_operands = 4 : i64, tpu.core_type = #tpu.core_type<sc_vector_subcore>, window_params = [{transform_indices = #map}, {transform_indices = #map1}]} {
    %scan3A = arith.constant 0 : i32
    %scan3A_0 = arith.constant 10 : i32
    %scan3A_1 = arith.addi %scan3A, %scan3A_0 : i32
    %scan3A_2 = arith.constant 1 : i32
    scf.for %scan3A_4 = %scan3A to %scan3A_1 step %scan3A_2  : i32 {
      %mul3A = arith.constant 1 : i32
      %mul3A_5 = arith.muli %scan3A_4, %mul3A : i32
      %add3A = arith.constant 0 : i32
      %add3A_6 = arith.addi %add3A, %mul3A_5 : i32
      %mul3A_7 = arith.constant 16 : i32
      %mul3A_8 = arith.muli %add3A_6, %mul3A_7 : i32
      %add3A_9 = arith.addi %mul3A_8, %arg1 : i32
      %lt3A = arith.constant 158 : i32
      %lt3A_10 = arith.cmpi slt, %add3A_9, %lt3A : i32
      %convert_element_type3A = arith.extui %lt3A_10 : i1 to i32
      %cond3A = arith.constant 0 : i32
      %cond3A_11 = arith.cmpi ne, %convert_element_type3A, %cond3A : i32
      scf.if %cond3A_11 {
        %mul3A_12 = arith.constant 2 : i32
        %mul3A_13 = arith.muli %arg0, %mul3A_12 : i32
        %jit3A = arith.constant 79 : i32
        %div3A = arith.divsi %add3A_9, %jit3A : i32
        %sign3A = arith.constant 0 : i32
        %sign3A_14 = arith.cmpi sgt, %add3A_9, %sign3A : i32
        %sign3A_15 = arith.extui %sign3A_14 : i1 to i32
        %sign3A_16 = arith.constant 0 : i32
        %sign3A_17 = arith.cmpi slt, %add3A_9, %sign3A_16 : i32
        %sign3A_18 = arith.extui %sign3A_17 : i1 to i32
        %sign3A_19 = arith.subi %sign3A_15, %sign3A_18 : i32
        %sign3A_20 = arith.constant 0 : i32
        %sign3A_21 = arith.cmpi sgt, %jit3A, %sign3A_20 : i32
        %sign3A_22 = arith.extui %sign3A_21 : i1 to i32
        %sign3A_23 = arith.constant 0 : i32
        %sign3A_24 = arith.cmpi slt, %jit3A, %sign3A_23 : i32
        %sign3A_25 = arith.extui %sign3A_24 : i1 to i32
        %sign3A_26 = arith.subi %sign3A_22, %sign3A_25 : i32
        %ne3A = arith.cmpi ne, %sign3A_19, %sign3A_26 : i32
        %rem3A = arith.remsi %add3A_9, %jit3A : i32
        %ne3A_27 = arith.constant 0 : i32
        %ne3A_28 = arith.cmpi ne, %rem3A, %ne3A_27 : i32
        %and3A = arith.andi %ne3A, %ne3A_28 : i1
        %sub3A = arith.constant 1 : i32
        %sub3A_29 = arith.subi %div3A, %sub3A : i32
        %select_n3A = arith.select %and3A, %sub3A_29, %div3A : i32
        %add3A_30 = arith.addi %mul3A_13, %select_n3A : i32
        %jit3A_31 = arith.constant 79 : i32
        %eq3A = arith.constant 0 : i32
        %eq3A_32 = arith.cmpi eq, %jit3A_31, %eq3A : i32
        %jit3A_33 = arith.constant 1 : i32
        %select_n3A_34 = arith.select %eq3A_32, %jit3A_33, %jit3A_31 : i32
        %rem3A_35 = arith.remsi %add3A_9, %select_n3A_34 : i32
        %ne3A_36 = arith.constant 0 : i32
        %ne3A_37 = arith.cmpi ne, %rem3A_35, %ne3A_36 : i32
        %lt3A_38 = arith.constant 0 : i32
        %lt3A_39 = arith.cmpi slt, %rem3A_35, %lt3A_38 : i32
        %lt3A_40 = arith.constant 0 : i32
        %lt3A_41 = arith.cmpi slt, %select_n3A_34, %lt3A_40 : i32
        %ne3A_42 = arith.xori %lt3A_39, %lt3A_41 : i1
        %and3A_43 = arith.andi %ne3A_42, %ne3A_37 : i1
        %add3A_44 = arith.addi %rem3A_35, %select_n3A_34 : i32
        %select_n3A_45 = arith.select %and3A_43, %add3A_44, %rem3A_35 : i32
        %lt3A_46 = arith.constant 78 : i32
        %lt3A_47 = arith.cmpi slt, %select_n3A_45, %lt3A_46 : i32
        %convert_element_type3A_48 = arith.extui %lt3A_47 : i1 to i32
        %cond3A_49 = arith.constant 0 : i32
        %cond3A_50 = arith.cmpi ne, %convert_element_type3A_48, %cond3A_49 : i32
        scf.if %cond3A_50 {
          %mul3A_56 = arith.constant 12800 : i32
          %mul3A_57 = arith.muli %select_n3A_45, %mul3A_56 : i32
          %mul3A_58 = arith.constant 8 : i32
          %mul3A_59 = arith.muli %mul3A_58, %add3A_30 : i32
          "tpu.region"() ({
            %run_scoped3A = tpu.sem_alloc : memref<!tpu.dma_semaphore, #tpu.memory_space<semaphore_mem>>
            %dma_start3A_254 = tpu.memref_slice %arg2[%mul3A_59, %mul3A_57] : memref<32x1000000xf32, #tpu.memory_space<hbm>> -> memref<8x12800xf32, #tpu.memory_space<hbm>>
            %dma_start3A_255 = tpu.memref_slice %arg2[%mul3A_59, %mul3A_57] : memref<32x1000000xf32, #tpu.memory_space<hbm>> -> memref<8x12800xf32, #tpu.memory_space<hbm>>
            tpu.enqueue_dma source(%dma_start3A_255 : memref<8x12800xf32, #tpu.memory_space<hbm>>) target(%arg4 : memref<8x12800xf32, #tpu.memory_space<vmem>>) target_semaphore(%run_scoped3A : memref<!tpu.dma_semaphore, #tpu.memory_space<semaphore_mem>>)
            %dma_wait3A_256 = tpu.memref_slice %arg2[%mul3A_59, %mul3A_57] : memref<32x1000000xf32, #tpu.memory_space<hbm>> -> memref<8x12800xf32, #tpu.memory_space<hbm>>
            %dma_wait3A_257 = tpu.memref_slice %arg2[%mul3A_59, %mul3A_57] : memref<32x1000000xf32, #tpu.memory_space<hbm>> -> memref<8x12800xf32, #tpu.memory_space<hbm>>
            tpu.wait_dma2 semaphore(%run_scoped3A : memref<!tpu.dma_semaphore, #tpu.memory_space<semaphore_mem>>) src(%dma_wait3A_257 : memref<8x12800xf32, #tpu.memory_space<hbm>>) dst(%arg4 : memref<8x12800xf32, #tpu.memory_space<vmem>>)
            tpu.yield
          }) : () -> ()
          %scan3A_60 = arith.constant 0 : i32
          %scan3A_61 = arith.constant 200 : i32
          %scan3A_62 = arith.addi %scan3A_60, %scan3A_61 : i32
          %scan3A_63 = arith.constant 1 : i32
          scf.for %scan3A_254 = %scan3A_60 to %scan3A_62 step %scan3A_63  : i32 {
            %mul3A_255 = arith.constant 1 : i32
            %mul3A_256 = arith.muli %scan3A_254, %mul3A_255 : i32
            %add3A_257 = arith.constant 0 : i32
            %add3A_258 = arith.addi %add3A_257, %mul3A_256 : i32
            %mul3A_259 = arith.constant 64 : i32
            %mul3A_260 = arith.muli %add3A_258, %mul3A_259 : i32
            %add3A_261 = arith.constant 0 : i32
            %add3A_262 = arith.addi %mul3A_260, %add3A_261 : i32
            %get3A = arith.constant 0 : i32
            %get3A_263 = arith.index_cast %get3A : i32 to index
            %get3A_264 = arith.index_cast %add3A_262 : i32 to index
            %get3A_265 = tpu.vector_load %arg4[%get3A_263, %get3A_264] {strides = array<i32>} : memref<8x12800xf32, #tpu.memory_space<vmem>>, vector<1x16xf32>,
            %get3A_266 = vector.shape_cast %get3A_265 : vector<1x16xf32> to vector<16xf32>
            %swap3A = arith.index_cast %add3A_262 : i32 to index
            %swap3A_267 = tpu.vector_load %arg5[%swap3A] {strides = array<i32>} : memref<12800xf32, #tpu.memory_space<vmem>>, vector<16xf32>,
            %swap3A_268 = vector.shape_cast %swap3A_267 : vector<16xf32> to vector<16xf32>
            %swap3A_269 = vector.shape_cast %get3A_266 : vector<16xf32> to vector<16xf32>
            tpu.vector_store %arg5[%swap3A], %swap3A_269 {strides = array<i32>} : memref<12800xf32, #tpu.memory_space<vmem>>, vector<16xf32>,
            %mul3A_270 = arith.constant 64 : i32
            %mul3A_271 = arith.muli %add3A_258, %mul3A_270 : i32
            %add3A_272 = arith.constant 16 : i32
            %add3A_273 = arith.addi %mul3A_271, %add3A_272 : i32
            %get3A_274 = arith.constant 0 : i32
            %get3A_275 = arith.index_cast %get3A_274 : i32 to index
            %get3A_276 = arith.index_cast %add3A_273 : i32 to index
            %get3A_277 = tpu.vector_load %arg4[%get3A_275, %get3A_276] {strides = array<i32>} : memref<8x12800xf32, #tpu.memory_space<vmem>>, vector<1x16xf32>,
            %get3A_278 = vector.shape_cast %get3A_277 : vector<1x16xf32> to vector<16xf32>
            %swap3A_279 = arith.index_cast %add3A_273 : i32 to index
            %swap3A_280 = tpu.vector_load %arg5[%swap3A_279] {strides = array<i32>} : memref<12800xf32, #tpu.memory_space<vmem>>, vector<16xf32>,
            %swap3A_281 = vector.shape_cast %swap3A_280 : vector<16xf32> to vector<16xf32>
            %swap3A_282 = vector.shape_cast %get3A_278 : vector<16xf32> to vector<16xf32>
            tpu.vector_store %arg5[%swap3A_279], %swap3A_282 {strides = array<i32>} : memref<12800xf32, #tpu.memory_space<vmem>>, vector<16xf32>,
            %mul3A_283 = arith.constant 64 : i32
            %mul3A_284 = arith.muli %add3A_258, %mul3A_283 : i32
            %add3A_285 = arith.constant 32 : i32
            %add3A_286 = arith.addi %mul3A_284, %add3A_285 : i32
            %get3A_287 = arith.constant 0 : i32
            %get3A_288 = arith.index_cast %get3A_287 : i32 to index
            %get3A_289 = arith.index_cast %add3A_286 : i32 to index
            %get3A_290 = tpu.vector_load %arg4[%get3A_288, %get3A_289] {strides = array<i32>} : memref<8x12800xf32, #tpu.memory_space<vmem>>, vector<1x16xf32>,
            %get3A_291 = vector.shape_cast %get3A_290 : vector<1x16xf32> to vector<16xf32>
            %swap3A_292 = arith.index_cast %add3A_286 : i32 to index
            %swap3A_293 = tpu.vector_load %arg5[%swap3A_292] {strides = array<i32>} : memref<12800xf32, #tpu.memory_space<vmem>>, vector<16xf32>,
            %swap3A_294 = vector.shape_cast %swap3A_293 : vector<16xf32> to vector<16xf32>
            %swap3A_295 = vector.shape_cast %get3A_291 : vector<16xf32> to vector<16xf32>
            tpu.vector_store %arg5[%swap3A_292], %swap3A_295 {strides = array<i32>} : memref<12800xf32, #tpu.memory_space<vmem>>, vector<16xf32>,
            %mul3A_296 = arith.constant 64 : i32
            %mul3A_297 = arith.muli %add3A_258, %mul3A_296 : i32
            %add3A_298 = arith.constant 48 : i32
            %add3A_299 = arith.addi %mul3A_297, %add3A_298 : i32
            %get3A_300 = arith.constant 0 : i32
            %get3A_301 = arith.index_cast %get3A_300 : i32 to index
            %get3A_302 = arith.index_cast %add3A_299 : i32 to index
            %get3A_303 = tpu.vector_load %arg4[%get3A_301, %get3A_302] {strides = array<i32>} : memref<8x12800xf32, #tpu.memory_space<vmem>>, vector<1x16xf32>,
            %get3A_304 = vector.shape_cast %get3A_303 : vector<1x16xf32> to vector<16xf32>
            %swap3A_305 = arith.index_cast %add3A_299 : i32 to index
            %swap3A_306 = tpu.vector_load %arg5[%swap3A_305] {strides = array<i32>} : memref<12800xf32, #tpu.memory_space<vmem>>, vector<16xf32>,
            %swap3A_307 = vector.shape_cast %swap3A_306 : vector<16xf32> to vector<16xf32>
            %swap3A_308 = vector.shape_cast %get3A_304 : vector<16xf32> to vector<16xf32>
            tpu.vector_store %arg5[%swap3A_305], %swap3A_308 {strides = array<i32>} : memref<12800xf32, #tpu.memory_space<vmem>>, vector<16xf32>,
          }
          %scan3A_64 = arith.constant 200 : i32
          %mul3A_65 = arith.constant 8 : i32
          %mul3A_66 = arith.muli %mul3A_65, %add3A_30 : i32
          %add3A_67 = arith.constant 0 : i32
          %add3A_68 = arith.addi %mul3A_66, %add3A_67 : i32
          %mul3A_69 = arith.constant 1000000 : i32
          %mul3A_70 = arith.muli %add3A_68, %mul3A_69 : i32
          %add3A_71 = arith.addi %mul3A_70, %mul3A_57 : i32
          %dma_start3A = tpu.memref_slice %arg3[%add3A_71] : memref<32000000xf32, #tpu.memory_space<hbm>> -> memref<12800xf32, #tpu.memory_space<hbm>>
          %dma_start3A_72 = tpu.memref_slice %arg3[%add3A_71] : memref<32000000xf32, #tpu.memory_space<hbm>> -> memref<12800xf32, #tpu.memory_space<hbm>>
          tpu.enqueue_dma source(%arg5 : memref<12800xf32, #tpu.memory_space<vmem>>) target(%dma_start3A_72 : memref<12800xf32, #tpu.memory_space<hbm>>) target_semaphore(%arg7 : memref<!tpu.dma_semaphore, #tpu.memory_space<semaphore_mem>>)
          %scan3A_73 = arith.constant 0 : i32
          %scan3A_74 = arith.constant 200 : i32
          %scan3A_75 = arith.addi %scan3A_73, %scan3A_74 : i32
          %scan3A_76 = arith.constant 1 : i32
          scf.for %scan3A_254 = %scan3A_73 to %scan3A_75 step %scan3A_76  : i32 {
            %mul3A_255 = arith.constant 1 : i32
            %mul3A_256 = arith.muli %scan3A_254, %mul3A_255 : i32
            %add3A_257 = arith.constant 0 : i32
            %add3A_258 = arith.addi %add3A_257, %mul3A_256 : i32
            %mul3A_259 = arith.constant 64 : i32
            %mul3A_260 = arith.muli %add3A_258, %mul3A_259 : i32
            %add3A_261 = arith.constant 0 : i32
            %add3A_262 = arith.addi %mul3A_260, %add3A_261 : i32
            %get3A = arith.constant 1 : i32
            %get3A_263 = arith.index_cast %get3A : i32 to index
            %get3A_264 = arith.index_cast %add3A_262 : i32 to index
            %get3A_265 = tpu.vector_load %arg4[%get3A_263, %get3A_264] {strides = array<i32>} : memref<8x12800xf32, #tpu.memory_space<vmem>>, vector<1x16xf32>,
            %get3A_266 = vector.shape_cast %get3A_265 : vector<1x16xf32> to vector<16xf32>
            %swap3A = arith.index_cast %add3A_262 : i32 to index
            %swap3A_267 = tpu.vector_load %arg6[%swap3A] {strides = array<i32>} : memref<12800xf32, #tpu.memory_space<vmem>>, vector<16xf32>,
            %swap3A_268 = vector.shape_cast %swap3A_267 : vector<16xf32> to vector<16xf32>
            %swap3A_269 = vector.shape_cast %get3A_266 : vector<16xf32> to vector<16xf32>
            tpu.vector_store %arg6[%swap3A], %swap3A_269 {strides = array<i32>} : memref<12800xf32, #tpu.memory_space<vmem>>, vector<16xf32>,
            %mul3A_270 = arith.constant 64 : i32
            %mul3A_271 = arith.muli %add3A_258, %mul3A_270 : i32
            %add3A_272 = arith.constant 16 : i32
            %add3A_273 = arith.addi %mul3A_271, %add3A_272 : i32
            %get3A_274 = arith.constant 1 : i32
            %get3A_275 = arith.index_cast %get3A_274 : i32 to index
            %get3A_276 = arith.index_cast %add3A_273 : i32 to index
            %get3A_277 = tpu.vector_load %arg4[%get3A_275, %get3A_276] {strides = array<i32>} : memref<8x12800xf32, #tpu.memory_space<vmem>>, vector<1x16xf32>,
            %get3A_278 = vector.shape_cast %get3A_277 : vector<1x16xf32> to vector<16xf32>
            %swap3A_279 = arith.index_cast %add3A_273 : i32 to index
            %swap3A_280 = tpu.vector_load %arg6[%swap3A_279] {strides = array<i32>} : memref<12800xf32, #tpu.memory_space<vmem>>, vector<16xf32>,
            %swap3A_281 = vector.shape_cast %swap3A_280 : vector<16xf32> to vector<16xf32>
            %swap3A_282 = vector.shape_cast %get3A_278 : vector<16xf32> to vector<16xf32>
            tpu.vector_store %arg6[%swap3A_279], %swap3A_282 {strides = array<i32>} : memref<12800xf32, #tpu.memory_space<vmem>>, vector<16xf32>,
            %mul3A_283 = arith.constant 64 : i32
            %mul3A_284 = arith.muli %add3A_258, %mul3A_283 : i32
            %add3A_285 = arith.constant 32 : i32
            %add3A_286 = arith.addi %mul3A_284, %add3A_285 : i32
            %get3A_287 = arith.constant 1 : i32
            %get3A_288 = arith.index_cast %get3A_287 : i32 to index
            %get3A_289 = arith.index_cast %add3A_286 : i32 to index
            %get3A_290 = tpu.vector_load %arg4[%get3A_288, %get3A_289] {strides = array<i32>} : memref<8x12800xf32, #tpu.memory_space<vmem>>, vector<1x16xf32>,
            %get3A_291 = vector.shape_cast %get3A_290 : vector<1x16xf32> to vector<16xf32>
            %swap3A_292 = arith.index_cast %add3A_286 : i32 to index
            %swap3A_293 = tpu.vector_load %arg6[%swap3A_292] {strides = array<i32>} : memref<12800xf32, #tpu.memory_space<vmem>>, vector<16xf32>,
            %swap3A_294 = vector.shape_cast %swap3A_293 : vector<16xf32> to vector<16xf32>
            %swap3A_295 = vector.shape_cast %get3A_291 : vector<16xf32> to vector<16xf32>
            tpu.vector_store %arg6[%swap3A_292], %swap3A_295 {strides = array<i32>} : memref<12800xf32, #tpu.memory_space<vmem>>, vector<16xf32>,
            %mul3A_296 = arith.constant 64 : i32
            %mul3A_297 = arith.muli %add3A_258, %mul3A_296 : i32
            %add3A_298 = arith.constant 48 : i32
            %add3A_299 = arith.addi %mul3A_297, %add3A_298 : i32
            %get3A_300 = arith.constant 1 : i32
            %get3A_301 = arith.index_cast %get3A_300 : i32 to index
            %get3A_302 = arith.index_cast %add3A_299 : i32 to index
            %get3A_303 = tpu.vector_load %arg4[%get3A_301, %get3A_302] {strides = array<i32>} : memref<8x12800xf32, #tpu.memory_space<vmem>>, vector<1x16xf32>,
            %get3A_304 = vector.shape_cast %get3A_303 : vector<1x16xf32> to vector<16xf32>
            %swap3A_305 = arith.index_cast %add3A_299 : i32 to index
            %swap3A_306 = tpu.vector_load %arg6[%swap3A_305] {strides = array<i32>} : memref<12800xf32, #tpu.memory_space<vmem>>, vector<16xf32>,
            %swap3A_307 = vector.shape_cast %swap3A_306 : vector<16xf32> to vector<16xf32>
            %swap3A_308 = vector.shape_cast %get3A_304 : vector<16xf32> to vector<16xf32>
            tpu.vector_store %arg6[%swap3A_305], %swap3A_308 {strides = array<i32>} : memref<12800xf32, #tpu.memory_space<vmem>>, vector<16xf32>,
          }
          %scan3A_77 = arith.constant 200 : i32
          %mul3A_78 = arith.constant 8 : i32
          %mul3A_79 = arith.muli %mul3A_78, %add3A_30 : i32
          %add3A_80 = arith.constant 1 : i32
          %add3A_81 = arith.addi %mul3A_79, %add3A_80 : i32
          %mul3A_82 = arith.constant 1000000 : i32
          %mul3A_83 = arith.muli %add3A_81, %mul3A_82 : i32
          %add3A_84 = arith.addi %mul3A_83, %mul3A_57 : i32
          %dma_start3A_85 = tpu.memref_slice %arg3[%add3A_84] : memref<32000000xf32, #tpu.memory_space<hbm>> -> memref<12800xf32, #tpu.memory_space<hbm>>
          %dma_start3A_86 = tpu.memref_slice %arg3[%add3A_84] : memref<32000000xf32, #tpu.memory_space<hbm>> -> memref<12800xf32, #tpu.memory_space<hbm>>
          tpu.enqueue_dma source(%arg6 : memref<12800xf32, #tpu.memory_space<vmem>>) target(%dma_start3A_86 : memref<12800xf32, #tpu.memory_space<hbm>>) target_semaphore(%arg7 : memref<!tpu.dma_semaphore, #tpu.memory_space<semaphore_mem>>)
          %mul3A_87 = arith.constant 8 : i32
          %mul3A_88 = arith.muli %mul3A_87, %add3A_30 : i32
          %add3A_89 = arith.constant 2 : i32
          %add3A_90 = arith.addi %mul3A_88, %add3A_89 : i32
          %sub3A_91 = arith.constant 2 : i32
          %sub3A_92 = arith.subi %add3A_90, %sub3A_91 : i32
          %mul3A_93 = arith.constant 1000000 : i32
          %mul3A_94 = arith.muli %sub3A_92, %mul3A_93 : i32
          %add3A_95 = arith.addi %mul3A_94, %mul3A_57 : i32
          %dma_wait3A = tpu.memref_slice %arg3[%add3A_95] : memref<32000000xf32, #tpu.memory_space<hbm>> -> memref<12800xf32, #tpu.memory_space<hbm>>
          %dma_wait3A_96 = tpu.memref_slice %arg3[%add3A_95] : memref<32000000xf32, #tpu.memory_space<hbm>> -> memref<12800xf32, #tpu.memory_space<hbm>>
          tpu.wait_dma2 semaphore(%arg7 : memref<!tpu.dma_semaphore, #tpu.memory_space<semaphore_mem>>) src(%arg5 : memref<12800xf32, #tpu.memory_space<vmem>>) dst(%dma_wait3A_96 : memref<12800xf32, #tpu.memory_space<hbm>>)
          %scan3A_97 = arith.constant 0 : i32
          %scan3A_98 = arith.constant 200 : i32
          %scan3A_99 = arith.addi %scan3A_97, %scan3A_98 : i32
          %scan3A_100 = arith.constant 1 : i32
          scf.for %scan3A_254 = %scan3A_97 to %scan3A_99 step %scan3A_100  : i32 {
            %mul3A_255 = arith.constant 1 : i32
            %mul3A_256 = arith.muli %scan3A_254, %mul3A_255 : i32
            %add3A_257 = arith.constant 0 : i32
            %add3A_258 = arith.addi %add3A_257, %mul3A_256 : i32
            %mul3A_259 = arith.constant 64 : i32
            %mul3A_260 = arith.muli %add3A_258, %mul3A_259 : i32
            %add3A_261 = arith.constant 0 : i32
            %add3A_262 = arith.addi %mul3A_260, %add3A_261 : i32
            %get3A = arith.constant 2 : i32
            %get3A_263 = arith.index_cast %get3A : i32 to index
            %get3A_264 = arith.index_cast %add3A_262 : i32 to index
            %get3A_265 = tpu.vector_load %arg4[%get3A_263, %get3A_264] {strides = array<i32>} : memref<8x12800xf32, #tpu.memory_space<vmem>>, vector<1x16xf32>,
            %get3A_266 = vector.shape_cast %get3A_265 : vector<1x16xf32> to vector<16xf32>
            %swap3A = arith.index_cast %add3A_262 : i32 to index
            %swap3A_267 = tpu.vector_load %arg5[%swap3A] {strides = array<i32>} : memref<12800xf32, #tpu.memory_space<vmem>>, vector<16xf32>,
            %swap3A_268 = vector.shape_cast %swap3A_267 : vector<16xf32> to vector<16xf32>
            %swap3A_269 = vector.shape_cast %get3A_266 : vector<16xf32> to vector<16xf32>
            tpu.vector_store %arg5[%swap3A], %swap3A_269 {strides = array<i32>} : memref<12800xf32, #tpu.memory_space<vmem>>, vector<16xf32>,
            %mul3A_270 = arith.constant 64 : i32
            %mul3A_271 = arith.muli %add3A_258, %mul3A_270 : i32
            %add3A_272 = arith.constant 16 : i32
            %add3A_273 = arith.addi %mul3A_271, %add3A_272 : i32
            %get3A_274 = arith.constant 2 : i32
            %get3A_275 = arith.index_cast %get3A_274 : i32 to index
            %get3A_276 = arith.index_cast %add3A_273 : i32 to index
            %get3A_277 = tpu.vector_load %arg4[%get3A_275, %get3A_276] {strides = array<i32>} : memref<8x12800xf32, #tpu.memory_space<vmem>>, vector<1x16xf32>,
            %get3A_278 = vector.shape_cast %get3A_277 : vector<1x16xf32> to vector<16xf32>
            %swap3A_279 = arith.index_cast %add3A_273 : i32 to index
            %swap3A_280 = tpu.vector_load %arg5[%swap3A_279] {strides = array<i32>} : memref<12800xf32, #tpu.memory_space<vmem>>, vector<16xf32>,
            %swap3A_281 = vector.shape_cast %swap3A_280 : vector<16xf32> to vector<16xf32>
            %swap3A_282 = vector.shape_cast %get3A_278 : vector<16xf32> to vector<16xf32>
            tpu.vector_store %arg5[%swap3A_279], %swap3A_282 {strides = array<i32>} : memref<12800xf32, #tpu.memory_space<vmem>>, vector<16xf32>,
            %mul3A_283 = arith.constant 64 : i32
            %mul3A_284 = arith.muli %add3A_258, %mul3A_283 : i32
            %add3A_285 = arith.constant 32 : i32
            %add3A_286 = arith.addi %mul3A_284, %add3A_285 : i32
            %get3A_287 = arith.constant 2 : i32
            %get3A_288 = arith.index_cast %get3A_287 : i32 to index
            %get3A_289 = arith.index_cast %add3A_286 : i32 to index
            %get3A_290 = tpu.vector_load %arg4[%get3A_288, %get3A_289] {strides = array<i32>} : memref<8x12800xf32, #tpu.memory_space<vmem>>, vector<1x16xf32>,
            %get3A_291 = vector.shape_cast %get3A_290 : vector<1x16xf32> to vector<16xf32>
            %swap3A_292 = arith.index_cast %add3A_286 : i32 to index
            %swap3A_293 = tpu.vector_load %arg5[%swap3A_292] {strides = array<i32>} : memref<12800xf32, #tpu.memory_space<vmem>>, vector<16xf32>,
            %swap3A_294 = vector.shape_cast %swap3A_293 : vector<16xf32> to vector<16xf32>
            %swap3A_295 = vector.shape_cast %get3A_291 : vector<16xf32> to vector<16xf32>
            tpu.vector_store %arg5[%swap3A_292], %swap3A_295 {strides = array<i32>} : memref<12800xf32, #tpu.memory_space<vmem>>, vector<16xf32>,
            %mul3A_296 = arith.constant 64 : i32
            %mul3A_297 = arith.muli %add3A_258, %mul3A_296 : i32
            %add3A_298 = arith.constant 48 : i32
            %add3A_299 = arith.addi %mul3A_297, %add3A_298 : i32
            %get3A_300 = arith.constant 2 : i32
            %get3A_301 = arith.index_cast %get3A_300 : i32 to index
            %get3A_302 = arith.index_cast %add3A_299 : i32 to index
            %get3A_303 = tpu.vector_load %arg4[%get3A_301, %get3A_302] {strides = array<i32>} : memref<8x12800xf32, #tpu.memory_space<vmem>>, vector<1x16xf32>,
            %get3A_304 = vector.shape_cast %get3A_303 : vector<1x16xf32> to vector<16xf32>
            %swap3A_305 = arith.index_cast %add3A_299 : i32 to index
            %swap3A_306 = tpu.vector_load %arg5[%swap3A_305] {strides = array<i32>} : memref<12800xf32, #tpu.memory_space<vmem>>, vector<16xf32>,
            %swap3A_307 = vector.shape_cast %swap3A_306 : vector<16xf32> to vector<16xf32>
            %swap3A_308 = vector.shape_cast %get3A_304 : vector<16xf32> to vector<16xf32>
            tpu.vector_store %arg5[%swap3A_305], %swap3A_308 {strides = array<i32>} : memref<12800xf32, #tpu.memory_space<vmem>>, vector<16xf32>,
          }
          %scan3A_101 = arith.constant 200 : i32
          %mul3A_102 = arith.constant 8 : i32
          %mul3A_103 = arith.muli %mul3A_102, %add3A_30 : i32
          %add3A_104 = arith.constant 2 : i32
          %add3A_105 = arith.addi %mul3A_103, %add3A_104 : i32
          %mul3A_106 = arith.constant 1000000 : i32
          %mul3A_107 = arith.muli %add3A_105, %mul3A_106 : i32
          %add3A_108 = arith.addi %mul3A_107, %mul3A_57 : i32
          %dma_start3A_109 = tpu.memref_slice %arg3[%add3A_108] : memref<32000000xf32, #tpu.memory_space<hbm>> -> memref<12800xf32, #tpu.memory_space<hbm>>
          %dma_start3A_110 = tpu.memref_slice %arg3[%add3A_108] : memref<32000000xf32, #tpu.memory_space<hbm>> -> memref<12800xf32, #tpu.memory_space<hbm>>
          tpu.enqueue_dma source(%arg5 : memref<12800xf32, #tpu.memory_space<vmem>>) target(%dma_start3A_110 : memref<12800xf32, #tpu.memory_space<hbm>>) target_semaphore(%arg7 : memref<!tpu.dma_semaphore, #tpu.memory_space<semaphore_mem>>)
          %mul3A_111 = arith.constant 8 : i32
          %mul3A_112 = arith.muli %mul3A_111, %add3A_30 : i32
          %add3A_113 = arith.constant 3 : i32
          %add3A_114 = arith.addi %mul3A_112, %add3A_113 : i32
          %sub3A_115 = arith.constant 2 : i32
          %sub3A_116 = arith.subi %add3A_114, %sub3A_115 : i32
          %mul3A_117 = arith.constant 1000000 : i32
          %mul3A_118 = arith.muli %sub3A_116, %mul3A_117 : i32
          %add3A_119 = arith.addi %mul3A_118, %mul3A_57 : i32
          %dma_wait3A_120 = tpu.memref_slice %arg3[%add3A_119] : memref<32000000xf32, #tpu.memory_space<hbm>> -> memref<12800xf32, #tpu.memory_space<hbm>>
          %dma_wait3A_121 = tpu.memref_slice %arg3[%add3A_119] : memref<32000000xf32, #tpu.memory_space<hbm>> -> memref<12800xf32, #tpu.memory_space<hbm>>
          tpu.wait_dma2 semaphore(%arg7 : memref<!tpu.dma_semaphore, #tpu.memory_space<semaphore_mem>>) src(%arg6 : memref<12800xf32, #tpu.memory_space<vmem>>) dst(%dma_wait3A_121 : memref<12800xf32, #tpu.memory_space<hbm>>)
          %scan3A_122 = arith.constant 0 : i32
          %scan3A_123 = arith.constant 200 : i32
          %scan3A_124 = arith.addi %scan3A_122, %scan3A_123 : i32
          %scan3A_125 = arith.constant 1 : i32
          scf.for %scan3A_254 = %scan3A_122 to %scan3A_124 step %scan3A_125  : i32 {
            %mul3A_255 = arith.constant 1 : i32
            %mul3A_256 = arith.muli %scan3A_254, %mul3A_255 : i32
            %add3A_257 = arith.constant 0 : i32
            %add3A_258 = arith.addi %add3A_257, %mul3A_256 : i32
            %mul3A_259 = arith.constant 64 : i32
            %mul3A_260 = arith.muli %add3A_258, %mul3A_259 : i32
            %add3A_261 = arith.constant 0 : i32
            %add3A_262 = arith.addi %mul3A_260, %add3A_261 : i32
            %get3A = arith.constant 3 : i32
            %get3A_263 = arith.index_cast %get3A : i32 to index
            %get3A_264 = arith.index_cast %add3A_262 : i32 to index
            %get3A_265 = tpu.vector_load %arg4[%get3A_263, %get3A_264] {strides = array<i32>} : memref<8x12800xf32, #tpu.memory_space<vmem>>, vector<1x16xf32>,
            %get3A_266 = vector.shape_cast %get3A_265 : vector<1x16xf32> to vector<16xf32>
            %swap3A = arith.index_cast %add3A_262 : i32 to index
            %swap3A_267 = tpu.vector_load %arg6[%swap3A] {strides = array<i32>} : memref<12800xf32, #tpu.memory_space<vmem>>, vector<16xf32>,
            %swap3A_268 = vector.shape_cast %swap3A_267 : vector<16xf32> to vector<16xf32>
            %swap3A_269 = vector.shape_cast %get3A_266 : vector<16xf32> to vector<16xf32>
            tpu.vector_store %arg6[%swap3A], %swap3A_269 {strides = array<i32>} : memref<12800xf32, #tpu.memory_space<vmem>>, vector<16xf32>,
            %mul3A_270 = arith.constant 64 : i32
            %mul3A_271 = arith.muli %add3A_258, %mul3A_270 : i32
            %add3A_272 = arith.constant 16 : i32
            %add3A_273 = arith.addi %mul3A_271, %add3A_272 : i32
            %get3A_274 = arith.constant 3 : i32
            %get3A_275 = arith.index_cast %get3A_274 : i32 to index
            %get3A_276 = arith.index_cast %add3A_273 : i32 to index
            %get3A_277 = tpu.vector_load %arg4[%get3A_275, %get3A_276] {strides = array<i32>} : memref<8x12800xf32, #tpu.memory_space<vmem>>, vector<1x16xf32>,
            %get3A_278 = vector.shape_cast %get3A_277 : vector<1x16xf32> to vector<16xf32>
            %swap3A_279 = arith.index_cast %add3A_273 : i32 to index
            %swap3A_280 = tpu.vector_load %arg6[%swap3A_279] {strides = array<i32>} : memref<12800xf32, #tpu.memory_space<vmem>>, vector<16xf32>,
            %swap3A_281 = vector.shape_cast %swap3A_280 : vector<16xf32> to vector<16xf32>
            %swap3A_282 = vector.shape_cast %get3A_278 : vector<16xf32> to vector<16xf32>
            tpu.vector_store %arg6[%swap3A_279], %swap3A_282 {strides = array<i32>} : memref<12800xf32, #tpu.memory_space<vmem>>, vector<16xf32>,
            %mul3A_283 = arith.constant 64 : i32
            %mul3A_284 = arith.muli %add3A_258, %mul3A_283 : i32
            %add3A_285 = arith.constant 32 : i32
            %add3A_286 = arith.addi %mul3A_284, %add3A_285 : i32
            %get3A_287 = arith.constant 3 : i32
            %get3A_288 = arith.index_cast %get3A_287 : i32 to index
            %get3A_289 = arith.index_cast %add3A_286 : i32 to index
            %get3A_290 = tpu.vector_load %arg4[%get3A_288, %get3A_289] {strides = array<i32>} : memref<8x12800xf32, #tpu.memory_space<vmem>>, vector<1x16xf32>,
            %get3A_291 = vector.shape_cast %get3A_290 : vector<1x16xf32> to vector<16xf32>
            %swap3A_292 = arith.index_cast %add3A_286 : i32 to index
            %swap3A_293 = tpu.vector_load %arg6[%swap3A_292] {strides = array<i32>} : memref<12800xf32, #tpu.memory_space<vmem>>, vector<16xf32>,
            %swap3A_294 = vector.shape_cast %swap3A_293 : vector<16xf32> to vector<16xf32>
            %swap3A_295 = vector.shape_cast %get3A_291 : vector<16xf32> to vector<16xf32>
            tpu.vector_store %arg6[%swap3A_292], %swap3A_295 {strides = array<i32>} : memref<12800xf32, #tpu.memory_space<vmem>>, vector<16xf32>,
            %mul3A_296 = arith.constant 64 : i32
            %mul3A_297 = arith.muli %add3A_258, %mul3A_296 : i32
            %add3A_298 = arith.constant 48 : i32
            %add3A_299 = arith.addi %mul3A_297, %add3A_298 : i32
            %get3A_300 = arith.constant 3 : i32
            %get3A_301 = arith.index_cast %get3A_300 : i32 to index
            %get3A_302 = arith.index_cast %add3A_299 : i32 to index
            %get3A_303 = tpu.vector_load %arg4[%get3A_301, %get3A_302] {strides = array<i32>} : memref<8x12800xf32, #tpu.memory_space<vmem>>, vector<1x16xf32>,
            %get3A_304 = vector.shape_cast %get3A_303 : vector<1x16xf32> to vector<16xf32>
            %swap3A_305 = arith.index_cast %add3A_299 : i32 to index
            %swap3A_306 = tpu.vector_load %arg6[%swap3A_305] {strides = array<i32>} : memref<12800xf32, #tpu.memory_space<vmem>>, vector<16xf32>,
            %swap3A_307 = vector.shape_cast %swap3A_306 : vector<16xf32> to vector<16xf32>
            %swap3A_308 = vector.shape_cast %get3A_304 : vector<16xf32> to vector<16xf32>
            tpu.vector_store %arg6[%swap3A_305], %swap3A_308 {strides = array<i32>} : memref<12800xf32, #tpu.memory_space<vmem>>, vector<16xf32>,
          }
          %scan3A_126 = arith.constant 200 : i32
          %mul3A_127 = arith.constant 8 : i32
          %mul3A_128 = arith.muli %mul3A_127, %add3A_30 : i32
          %add3A_129 = arith.constant 3 : i32
          %add3A_130 = arith.addi %mul3A_128, %add3A_129 : i32
          %mul3A_131 = arith.constant 1000000 : i32
          %mul3A_132 = arith.muli %add3A_130, %mul3A_131 : i32
          %add3A_133 = arith.addi %mul3A_132, %mul3A_57 : i32
          %dma_start3A_134 = tpu.memref_slice %arg3[%add3A_133] : memref<32000000xf32, #tpu.memory_space<hbm>> -> memref<12800xf32, #tpu.memory_space<hbm>>
          %dma_start3A_135 = tpu.memref_slice %arg3[%add3A_133] : memref<32000000xf32, #tpu.memory_space<hbm>> -> memref<12800xf32, #tpu.memory_space<hbm>>
          tpu.enqueue_dma source(%arg6 : memref<12800xf32, #tpu.memory_space<vmem>>) target(%dma_start3A_135 : memref<12800xf32, #tpu.memory_space<hbm>>) target_semaphore(%arg7 : memref<!tpu.dma_semaphore, #tpu.memory_space<semaphore_mem>>)
          %mul3A_136 = arith.constant 8 : i32
          %mul3A_137 = arith.muli %mul3A_136, %add3A_30 : i32
          %add3A_138 = arith.constant 4 : i32
          %add3A_139 = arith.addi %mul3A_137, %add3A_138 : i32
          %sub3A_140 = arith.constant 2 : i32
          %sub3A_141 = arith.subi %add3A_139, %sub3A_140 : i32
          %mul3A_142 = arith.constant 1000000 : i32
          %mul3A_143 = arith.muli %sub3A_141, %mul3A_142 : i32
          %add3A_144 = arith.addi %mul3A_143, %mul3A_57 : i32
          %dma_wait3A_145 = tpu.memref_slice %arg3[%add3A_144] : memref<32000000xf32, #tpu.memory_space<hbm>> -> memref<12800xf32, #tpu.memory_space<hbm>>
          %dma_wait3A_146 = tpu.memref_slice %arg3[%add3A_144] : memref<32000000xf32, #tpu.memory_space<hbm>> -> memref<12800xf32, #tpu.memory_space<hbm>>
          tpu.wait_dma2 semaphore(%arg7 : memref<!tpu.dma_semaphore, #tpu.memory_space<semaphore_mem>>) src(%arg5 : memref<12800xf32, #tpu.memory_space<vmem>>) dst(%dma_wait3A_146 : memref<12800xf32, #tpu.memory_space<hbm>>)
          %scan3A_147 = arith.constant 0 : i32
          %scan3A_148 = arith.constant 200 : i32
          %scan3A_149 = arith.addi %scan3A_147, %scan3A_148 : i32
          %scan3A_150 = arith.constant 1 : i32
          scf.for %scan3A_254 = %scan3A_147 to %scan3A_149 step %scan3A_150  : i32 {
            %mul3A_255 = arith.constant 1 : i32
            %mul3A_256 = arith.muli %scan3A_254, %mul3A_255 : i32
            %add3A_257 = arith.constant 0 : i32
            %add3A_258 = arith.addi %add3A_257, %mul3A_256 : i32
            %mul3A_259 = arith.constant 64 : i32
            %mul3A_260 = arith.muli %add3A_258, %mul3A_259 : i32
            %add3A_261 = arith.constant 0 : i32
            %add3A_262 = arith.addi %mul3A_260, %add3A_261 : i32
            %get3A = arith.constant 4 : i32
            %get3A_263 = arith.index_cast %get3A : i32 to index
            %get3A_264 = arith.index_cast %add3A_262 : i32 to index
            %get3A_265 = tpu.vector_load %arg4[%get3A_263, %get3A_264] {strides = array<i32>} : memref<8x12800xf32, #tpu.memory_space<vmem>>, vector<1x16xf32>,
            %get3A_266 = vector.shape_cast %get3A_265 : vector<1x16xf32> to vector<16xf32>
            %swap3A = arith.index_cast %add3A_262 : i32 to index
            %swap3A_267 = tpu.vector_load %arg5[%swap3A] {strides = array<i32>} : memref<12800xf32, #tpu.memory_space<vmem>>, vector<16xf32>,
            %swap3A_268 = vector.shape_cast %swap3A_267 : vector<16xf32> to vector<16xf32>
            %swap3A_269 = vector.shape_cast %get3A_266 : vector<16xf32> to vector<16xf32>
            tpu.vector_store %arg5[%swap3A], %swap3A_269 {strides = array<i32>} : memref<12800xf32, #tpu.memory_space<vmem>>, vector<16xf32>,
            %mul3A_270 = arith.constant 64 : i32
            %mul3A_271 = arith.muli %add3A_258, %mul3A_270 : i32
            %add3A_272 = arith.constant 16 : i32
            %add3A_273 = arith.addi %mul3A_271, %add3A_272 : i32
            %get3A_274 = arith.constant 4 : i32
            %get3A_275 = arith.index_cast %get3A_274 : i32 to index
            %get3A_276 = arith.index_cast %add3A_273 : i32 to index
            %get3A_277 = tpu.vector_load %arg4[%get3A_275, %get3A_276] {strides = array<i32>} : memref<8x12800xf32, #tpu.memory_space<vmem>>, vector<1x16xf32>,
            %get3A_278 = vector.shape_cast %get3A_277 : vector<1x16xf32> to vector<16xf32>
            %swap3A_279 = arith.index_cast %add3A_273 : i32 to index
            %swap3A_280 = tpu.vector_load %arg5[%swap3A_279] {strides = array<i32>} : memref<12800xf32, #tpu.memory_space<vmem>>, vector<16xf32>,
            %swap3A_281 = vector.shape_cast %swap3A_280 : vector<16xf32> to vector<16xf32>
            %swap3A_282 = vector.shape_cast %get3A_278 : vector<16xf32> to vector<16xf32>
            tpu.vector_store %arg5[%swap3A_279], %swap3A_282 {strides = array<i32>} : memref<12800xf32, #tpu.memory_space<vmem>>, vector<16xf32>,
            %mul3A_283 = arith.constant 64 : i32
            %mul3A_284 = arith.muli %add3A_258, %mul3A_283 : i32
            %add3A_285 = arith.constant 32 : i32
            %add3A_286 = arith.addi %mul3A_284, %add3A_285 : i32
            %get3A_287 = arith.constant 4 : i32
            %get3A_288 = arith.index_cast %get3A_287 : i32 to index
            %get3A_289 = arith.index_cast %add3A_286 : i32 to index
            %get3A_290 = tpu.vector_load %arg4[%get3A_288, %get3A_289] {strides = array<i32>} : memref<8x12800xf32, #tpu.memory_space<vmem>>, vector<1x16xf32>,
            %get3A_291 = vector.shape_cast %get3A_290 : vector<1x16xf32> to vector<16xf32>
            %swap3A_292 = arith.index_cast %add3A_286 : i32 to index
            %swap3A_293 = tpu.vector_load %arg5[%swap3A_292] {strides = array<i32>} : memref<12800xf32, #tpu.memory_space<vmem>>, vector<16xf32>,
            %swap3A_294 = vector.shape_cast %swap3A_293 : vector<16xf32> to vector<16xf32>
            %swap3A_295 = vector.shape_cast %get3A_291 : vector<16xf32> to vector<16xf32>
            tpu.vector_store %arg5[%swap3A_292], %swap3A_295 {strides = array<i32>} : memref<12800xf32, #tpu.memory_space<vmem>>, vector<16xf32>,
            %mul3A_296 = arith.constant 64 : i32
            %mul3A_297 = arith.muli %add3A_258, %mul3A_296 : i32
            %add3A_298 = arith.constant 48 : i32
            %add3A_299 = arith.addi %mul3A_297, %add3A_298 : i32
            %get3A_300 = arith.constant 4 : i32
            %get3A_301 = arith.index_cast %get3A_300 : i32 to index
            %get3A_302 = arith.index_cast %add3A_299 : i32 to index
            %get3A_303 = tpu.vector_load %arg4[%get3A_301, %get3A_302] {strides = array<i32>} : memref<8x12800xf32, #tpu.memory_space<vmem>>, vector<1x16xf32>,
            %get3A_304 = vector.shape_cast %get3A_303 : vector<1x16xf32> to vector<16xf32>
            %swap3A_305 = arith.index_cast %add3A_299 : i32 to index
            %swap3A_306 = tpu.vector_load %arg5[%swap3A_305] {strides = array<i32>} : memref<12800xf32, #tpu.memory_space<vmem>>, vector<16xf32>,
            %swap3A_307 = vector.shape_cast %swap3A_306 : vector<16xf32> to vector<16xf32>
            %swap3A_308 = vector.shape_cast %get3A_304 : vector<16xf32> to vector<16xf32>
            tpu.vector_store %arg5[%swap3A_305], %swap3A_308 {strides = array<i32>} : memref<12800xf32, #tpu.memory_space<vmem>>, vector<16xf32>,
          }
          %scan3A_151 = arith.constant 200 : i32
          %mul3A_152 = arith.constant 8 : i32
          %mul3A_153 = arith.muli %mul3A_152, %add3A_30 : i32
          %add3A_154 = arith.constant 4 : i32
          %add3A_155 = arith.addi %mul3A_153, %add3A_154 : i32
          %mul3A_156 = arith.constant 1000000 : i32
          %mul3A_157 = arith.muli %add3A_155, %mul3A_156 : i32
          %add3A_158 = arith.addi %mul3A_157, %mul3A_57 : i32
          %dma_start3A_159 = tpu.memref_slice %arg3[%add3A_158] : memref<32000000xf32, #tpu.memory_space<hbm>> -> memref<12800xf32, #tpu.memory_space<hbm>>
          %dma_start3A_160 = tpu.memref_slice %arg3[%add3A_158] : memref<32000000xf32, #tpu.memory_space<hbm>> -> memref<12800xf32, #tpu.memory_space<hbm>>
          tpu.enqueue_dma source(%arg5 : memref<12800xf32, #tpu.memory_space<vmem>>) target(%dma_start3A_160 : memref<12800xf32, #tpu.memory_space<hbm>>) target_semaphore(%arg7 : memref<!tpu.dma_semaphore, #tpu.memory_space<semaphore_mem>>)
          %mul3A_161 = arith.constant 8 : i32
          %mul3A_162 = arith.muli %mul3A_161, %add3A_30 : i32
          %add3A_163 = arith.constant 5 : i32
          %add3A_164 = arith.addi %mul3A_162, %add3A_163 : i32
          %sub3A_165 = arith.constant 2 : i32
          %sub3A_166 = arith.subi %add3A_164, %sub3A_165 : i32
          %mul3A_167 = arith.constant 1000000 : i32
          %mul3A_168 = arith.muli %sub3A_166, %mul3A_167 : i32
          %add3A_169 = arith.addi %mul3A_168, %mul3A_57 : i32
          %dma_wait3A_170 = tpu.memref_slice %arg3[%add3A_169] : memref<32000000xf32, #tpu.memory_space<hbm>> -> memref<12800xf32, #tpu.memory_space<hbm>>
          %dma_wait3A_171 = tpu.memref_slice %arg3[%add3A_169] : memref<32000000xf32, #tpu.memory_space<hbm>> -> memref<12800xf32, #tpu.memory_space<hbm>>
          tpu.wait_dma2 semaphore(%arg7 : memref<!tpu.dma_semaphore, #tpu.memory_space<semaphore_mem>>) src(%arg6 : memref<12800xf32, #tpu.memory_space<vmem>>) dst(%dma_wait3A_171 : memref<12800xf32, #tpu.memory_space<hbm>>)
          %scan3A_172 = arith.constant 0 : i32
          %scan3A_173 = arith.constant 200 : i32
          %scan3A_174 = arith.addi %scan3A_172, %scan3A_173 : i32
          %scan3A_175 = arith.constant 1 : i32
          scf.for %scan3A_254 = %scan3A_172 to %scan3A_174 step %scan3A_175  : i32 {
            %mul3A_255 = arith.constant 1 : i32
            %mul3A_256 = arith.muli %scan3A_254, %mul3A_255 : i32
            %add3A_257 = arith.constant 0 : i32
            %add3A_258 = arith.addi %add3A_257, %mul3A_256 : i32
            %mul3A_259 = arith.constant 64 : i32
            %mul3A_260 = arith.muli %add3A_258, %mul3A_259 : i32
            %add3A_261 = arith.constant 0 : i32
            %add3A_262 = arith.addi %mul3A_260, %add3A_261 : i32
            %get3A = arith.constant 5 : i32
            %get3A_263 = arith.index_cast %get3A : i32 to index
            %get3A_264 = arith.index_cast %add3A_262 : i32 to index
            %get3A_265 = tpu.vector_load %arg4[%get3A_263, %get3A_264] {strides = array<i32>} : memref<8x12800xf32, #tpu.memory_space<vmem>>, vector<1x16xf32>,
            %get3A_266 = vector.shape_cast %get3A_265 : vector<1x16xf32> to vector<16xf32>
            %swap3A = arith.index_cast %add3A_262 : i32 to index
            %swap3A_267 = tpu.vector_load %arg6[%swap3A] {strides = array<i32>} : memref<12800xf32, #tpu.memory_space<vmem>>, vector<16xf32>,
            %swap3A_268 = vector.shape_cast %swap3A_267 : vector<16xf32> to vector<16xf32>
            %swap3A_269 = vector.shape_cast %get3A_266 : vector<16xf32> to vector<16xf32>
            tpu.vector_store %arg6[%swap3A], %swap3A_269 {strides = array<i32>} : memref<12800xf32, #tpu.memory_space<vmem>>, vector<16xf32>,
            %mul3A_270 = arith.constant 64 : i32
            %mul3A_271 = arith.muli %add3A_258, %mul3A_270 : i32
            %add3A_272 = arith.constant 16 : i32
            %add3A_273 = arith.addi %mul3A_271, %add3A_272 : i32
            %get3A_274 = arith.constant 5 : i32
            %get3A_275 = arith.index_cast %get3A_274 : i32 to index
            %get3A_276 = arith.index_cast %add3A_273 : i32 to index
            %get3A_277 = tpu.vector_load %arg4[%get3A_275, %get3A_276] {strides = array<i32>} : memref<8x12800xf32, #tpu.memory_space<vmem>>, vector<1x16xf32>,
            %get3A_278 = vector.shape_cast %get3A_277 : vector<1x16xf32> to vector<16xf32>
            %swap3A_279 = arith.index_cast %add3A_273 : i32 to index
            %swap3A_280 = tpu.vector_load %arg6[%swap3A_279] {strides = array<i32>} : memref<12800xf32, #tpu.memory_space<vmem>>, vector<16xf32>,
            %swap3A_281 = vector.shape_cast %swap3A_280 : vector<16xf32> to vector<16xf32>
            %swap3A_282 = vector.shape_cast %get3A_278 : vector<16xf32> to vector<16xf32>
            tpu.vector_store %arg6[%swap3A_279], %swap3A_282 {strides = array<i32>} : memref<12800xf32, #tpu.memory_space<vmem>>, vector<16xf32>,
            %mul3A_283 = arith.constant 64 : i32
            %mul3A_284 = arith.muli %add3A_258, %mul3A_283 : i32
            %add3A_285 = arith.constant 32 : i32
            %add3A_286 = arith.addi %mul3A_284, %add3A_285 : i32
            %get3A_287 = arith.constant 5 : i32
            %get3A_288 = arith.index_cast %get3A_287 : i32 to index
            %get3A_289 = arith.index_cast %add3A_286 : i32 to index
            %get3A_290 = tpu.vector_load %arg4[%get3A_288, %get3A_289] {strides = array<i32>} : memref<8x12800xf32, #tpu.memory_space<vmem>>, vector<1x16xf32>,
            %get3A_291 = vector.shape_cast %get3A_290 : vector<1x16xf32> to vector<16xf32>
            %swap3A_292 = arith.index_cast %add3A_286 : i32 to index
            %swap3A_293 = tpu.vector_load %arg6[%swap3A_292] {strides = array<i32>} : memref<12800xf32, #tpu.memory_space<vmem>>, vector<16xf32>,
            %swap3A_294 = vector.shape_cast %swap3A_293 : vector<16xf32> to vector<16xf32>
            %swap3A_295 = vector.shape_cast %get3A_291 : vector<16xf32> to vector<16xf32>
            tpu.vector_store %arg6[%swap3A_292], %swap3A_295 {strides = array<i32>} : memref<12800xf32, #tpu.memory_space<vmem>>, vector<16xf32>,
            %mul3A_296 = arith.constant 64 : i32
            %mul3A_297 = arith.muli %add3A_258, %mul3A_296 : i32
            %add3A_298 = arith.constant 48 : i32
            %add3A_299 = arith.addi %mul3A_297, %add3A_298 : i32
            %get3A_300 = arith.constant 5 : i32
            %get3A_301 = arith.index_cast %get3A_300 : i32 to index
            %get3A_302 = arith.index_cast %add3A_299 : i32 to index
            %get3A_303 = tpu.vector_load %arg4[%get3A_301, %get3A_302] {strides = array<i32>} : memref<8x12800xf32, #tpu.memory_space<vmem>>, vector<1x16xf32>,
            %get3A_304 = vector.shape_cast %get3A_303 : vector<1x16xf32> to vector<16xf32>
            %swap3A_305 = arith.index_cast %add3A_299 : i32 to index
            %swap3A_306 = tpu.vector_load %arg6[%swap3A_305] {strides = array<i32>} : memref<12800xf32, #tpu.memory_space<vmem>>, vector<16xf32>,
            %swap3A_307 = vector.shape_cast %swap3A_306 : vector<16xf32> to vector<16xf32>
            %swap3A_308 = vector.shape_cast %get3A_304 : vector<16xf32> to vector<16xf32>
            tpu.vector_store %arg6[%swap3A_305], %swap3A_308 {strides = array<i32>} : memref<12800xf32, #tpu.memory_space<vmem>>, vector<16xf32>,
          }
          %scan3A_176 = arith.constant 200 : i32
          %mul3A_177 = arith.constant 8 : i32
          %mul3A_178 = arith.muli %mul3A_177, %add3A_30 : i32
          %add3A_179 = arith.constant 5 : i32
          %add3A_180 = arith.addi %mul3A_178, %add3A_179 : i32
          %mul3A_181 = arith.constant 1000000 : i32
          %mul3A_182 = arith.muli %add3A_180, %mul3A_181 : i32
          %add3A_183 = arith.addi %mul3A_182, %mul3A_57 : i32
          %dma_start3A_184 = tpu.memref_slice %arg3[%add3A_183] : memref<32000000xf32, #tpu.memory_space<hbm>> -> memref<12800xf32, #tpu.memory_space<hbm>>
          %dma_start3A_185 = tpu.memref_slice %arg3[%add3A_183] : memref<32000000xf32, #tpu.memory_space<hbm>> -> memref<12800xf32, #tpu.memory_space<hbm>>
          tpu.enqueue_dma source(%arg6 : memref<12800xf32, #tpu.memory_space<vmem>>) target(%dma_start3A_185 : memref<12800xf32, #tpu.memory_space<hbm>>) target_semaphore(%arg7 : memref<!tpu.dma_semaphore, #tpu.memory_space<semaphore_mem>>)
          %mul3A_186 = arith.constant 8 : i32
          %mul3A_187 = arith.muli %mul3A_186, %add3A_30 : i32
          %add3A_188 = arith.constant 6 : i32
          %add3A_189 = arith.addi %mul3A_187, %add3A_188 : i32
          %sub3A_190 = arith.constant 2 : i32
          %sub3A_191 = arith.subi %add3A_189, %sub3A_190 : i32
          %mul3A_192 = arith.constant 1000000 : i32
          %mul3A_193 = arith.muli %sub3A_191, %mul3A_192 : i32
          %add3A_194 = arith.addi %mul3A_193, %mul3A_57 : i32
          %dma_wait3A_195 = tpu.memref_slice %arg3[%add3A_194] : memref<32000000xf32, #tpu.memory_space<hbm>> -> memref<12800xf32, #tpu.memory_space<hbm>>
          %dma_wait3A_196 = tpu.memref_slice %arg3[%add3A_194] : memref<32000000xf32, #tpu.memory_space<hbm>> -> memref<12800xf32, #tpu.memory_space<hbm>>
          tpu.wait_dma2 semaphore(%arg7 : memref<!tpu.dma_semaphore, #tpu.memory_space<semaphore_mem>>) src(%arg5 : memref<12800xf32, #tpu.memory_space<vmem>>) dst(%dma_wait3A_196 : memref<12800xf32, #tpu.memory_space<hbm>>)
          %scan3A_197 = arith.constant 0 : i32
          %scan3A_198 = arith.constant 200 : i32
          %scan3A_199 = arith.addi %scan3A_197, %scan3A_198 : i32
          %scan3A_200 = arith.constant 1 : i32
          scf.for %scan3A_254 = %scan3A_197 to %scan3A_199 step %scan3A_200  : i32 {
            %mul3A_255 = arith.constant 1 : i32
            %mul3A_256 = arith.muli %scan3A_254, %mul3A_255 : i32
            %add3A_257 = arith.constant 0 : i32
            %add3A_258 = arith.addi %add3A_257, %mul3A_256 : i32
            %mul3A_259 = arith.constant 64 : i32
            %mul3A_260 = arith.muli %add3A_258, %mul3A_259 : i32
            %add3A_261 = arith.constant 0 : i32
            %add3A_262 = arith.addi %mul3A_260, %add3A_261 : i32
            %get3A = arith.constant 6 : i32
            %get3A_263 = arith.index_cast %get3A : i32 to index
            %get3A_264 = arith.index_cast %add3A_262 : i32 to index
            %get3A_265 = tpu.vector_load %arg4[%get3A_263, %get3A_264] {strides = array<i32>} : memref<8x12800xf32, #tpu.memory_space<vmem>>, vector<1x16xf32>,
            %get3A_266 = vector.shape_cast %get3A_265 : vector<1x16xf32> to vector<16xf32>
            %swap3A = arith.index_cast %add3A_262 : i32 to index
            %swap3A_267 = tpu.vector_load %arg5[%swap3A] {strides = array<i32>} : memref<12800xf32, #tpu.memory_space<vmem>>, vector<16xf32>,
            %swap3A_268 = vector.shape_cast %swap3A_267 : vector<16xf32> to vector<16xf32>
            %swap3A_269 = vector.shape_cast %get3A_266 : vector<16xf32> to vector<16xf32>
            tpu.vector_store %arg5[%swap3A], %swap3A_269 {strides = array<i32>} : memref<12800xf32, #tpu.memory_space<vmem>>, vector<16xf32>,
            %mul3A_270 = arith.constant 64 : i32
            %mul3A_271 = arith.muli %add3A_258, %mul3A_270 : i32
            %add3A_272 = arith.constant 16 : i32
            %add3A_273 = arith.addi %mul3A_271, %add3A_272 : i32
            %get3A_274 = arith.constant 6 : i32
            %get3A_275 = arith.index_cast %get3A_274 : i32 to index
            %get3A_276 = arith.index_cast %add3A_273 : i32 to index
            %get3A_277 = tpu.vector_load %arg4[%get3A_275, %get3A_276] {strides = array<i32>} : memref<8x12800xf32, #tpu.memory_space<vmem>>, vector<1x16xf32>,
            %get3A_278 = vector.shape_cast %get3A_277 : vector<1x16xf32> to vector<16xf32>
            %swap3A_279 = arith.index_cast %add3A_273 : i32 to index
            %swap3A_280 = tpu.vector_load %arg5[%swap3A_279] {strides = array<i32>} : memref<12800xf32, #tpu.memory_space<vmem>>, vector<16xf32>,
            %swap3A_281 = vector.shape_cast %swap3A_280 : vector<16xf32> to vector<16xf32>
            %swap3A_282 = vector.shape_cast %get3A_278 : vector<16xf32> to vector<16xf32>
            tpu.vector_store %arg5[%swap3A_279], %swap3A_282 {strides = array<i32>} : memref<12800xf32, #tpu.memory_space<vmem>>, vector<16xf32>,
            %mul3A_283 = arith.constant 64 : i32
            %mul3A_284 = arith.muli %add3A_258, %mul3A_283 : i32
            %add3A_285 = arith.constant 32 : i32
            %add3A_286 = arith.addi %mul3A_284, %add3A_285 : i32
            %get3A_287 = arith.constant 6 : i32
            %get3A_288 = arith.index_cast %get3A_287 : i32 to index
            %get3A_289 = arith.index_cast %add3A_286 : i32 to index
            %get3A_290 = tpu.vector_load %arg4[%get3A_288, %get3A_289] {strides = array<i32>} : memref<8x12800xf32, #tpu.memory_space<vmem>>, vector<1x16xf32>,
            %get3A_291 = vector.shape_cast %get3A_290 : vector<1x16xf32> to vector<16xf32>
            %swap3A_292 = arith.index_cast %add3A_286 : i32 to index
            %swap3A_293 = tpu.vector_load %arg5[%swap3A_292] {strides = array<i32>} : memref<12800xf32, #tpu.memory_space<vmem>>, vector<16xf32>,
            %swap3A_294 = vector.shape_cast %swap3A_293 : vector<16xf32> to vector<16xf32>
            %swap3A_295 = vector.shape_cast %get3A_291 : vector<16xf32> to vector<16xf32>
            tpu.vector_store %arg5[%swap3A_292], %swap3A_295 {strides = array<i32>} : memref<12800xf32, #tpu.memory_space<vmem>>, vector<16xf32>,
            %mul3A_296 = arith.constant 64 : i32
            %mul3A_297 = arith.muli %add3A_258, %mul3A_296 : i32
            %add3A_298 = arith.constant 48 : i32
            %add3A_299 = arith.addi %mul3A_297, %add3A_298 : i32
            %get3A_300 = arith.constant 6 : i32
            %get3A_301 = arith.index_cast %get3A_300 : i32 to index
            %get3A_302 = arith.index_cast %add3A_299 : i32 to index
            %get3A_303 = tpu.vector_load %arg4[%get3A_301, %get3A_302] {strides = array<i32>} : memref<8x12800xf32, #tpu.memory_space<vmem>>, vector<1x16xf32>,
            %get3A_304 = vector.shape_cast %get3A_303 : vector<1x16xf32> to vector<16xf32>
            %swap3A_305 = arith.index_cast %add3A_299 : i32 to index
            %swap3A_306 = tpu.vector_load %arg5[%swap3A_305] {strides = array<i32>} : memref<12800xf32, #tpu.memory_space<vmem>>, vector<16xf32>,
            %swap3A_307 = vector.shape_cast %swap3A_306 : vector<16xf32> to vector<16xf32>
            %swap3A_308 = vector.shape_cast %get3A_304 : vector<16xf32> to vector<16xf32>
            tpu.vector_store %arg5[%swap3A_305], %swap3A_308 {strides = array<i32>} : memref<12800xf32, #tpu.memory_space<vmem>>, vector<16xf32>,
          }
          %scan3A_201 = arith.constant 200 : i32
          %mul3A_202 = arith.constant 8 : i32
          %mul3A_203 = arith.muli %mul3A_202, %add3A_30 : i32
          %add3A_204 = arith.constant 6 : i32
          %add3A_205 = arith.addi %mul3A_203, %add3A_204 : i32
          %mul3A_206 = arith.constant 1000000 : i32
          %mul3A_207 = arith.muli %add3A_205, %mul3A_206 : i32
          %add3A_208 = arith.addi %mul3A_207, %mul3A_57 : i32
          %dma_start3A_209 = tpu.memref_slice %arg3[%add3A_208] : memref<32000000xf32, #tpu.memory_space<hbm>> -> memref<12800xf32, #tpu.memory_space<hbm>>
          %dma_start3A_210 = tpu.memref_slice %arg3[%add3A_208] : memref<32000000xf32, #tpu.memory_space<hbm>> -> memref<12800xf32, #tpu.memory_space<hbm>>
          tpu.enqueue_dma source(%arg5 : memref<12800xf32, #tpu.memory_space<vmem>>) target(%dma_start3A_210 : memref<12800xf32, #tpu.memory_space<hbm>>) target_semaphore(%arg7 : memref<!tpu.dma_semaphore, #tpu.memory_space<semaphore_mem>>)
          %mul3A_211 = arith.constant 8 : i32
          %mul3A_212 = arith.muli %mul3A_211, %add3A_30 : i32
          %add3A_213 = arith.constant 7 : i32
          %add3A_214 = arith.addi %mul3A_212, %add3A_213 : i32
          %sub3A_215 = arith.constant 2 : i32
          %sub3A_216 = arith.subi %add3A_214, %sub3A_215 : i32
          %mul3A_217 = arith.constant 1000000 : i32
          %mul3A_218 = arith.muli %sub3A_216, %mul3A_217 : i32
          %add3A_219 = arith.addi %mul3A_218, %mul3A_57 : i32
          %dma_wait3A_220 = tpu.memref_slice %arg3[%add3A_219] : memref<32000000xf32, #tpu.memory_space<hbm>> -> memref<12800xf32, #tpu.memory_space<hbm>>
          %dma_wait3A_221 = tpu.memref_slice %arg3[%add3A_219] : memref<32000000xf32, #tpu.memory_space<hbm>> -> memref<12800xf32, #tpu.memory_space<hbm>>
          tpu.wait_dma2 semaphore(%arg7 : memref<!tpu.dma_semaphore, #tpu.memory_space<semaphore_mem>>) src(%arg6 : memref<12800xf32, #tpu.memory_space<vmem>>) dst(%dma_wait3A_221 : memref<12800xf32, #tpu.memory_space<hbm>>)
          %scan3A_222 = arith.constant 0 : i32
          %scan3A_223 = arith.constant 200 : i32
          %scan3A_224 = arith.addi %scan3A_222, %scan3A_223 : i32
          %scan3A_225 = arith.constant 1 : i32
          scf.for %scan3A_254 = %scan3A_222 to %scan3A_224 step %scan3A_225  : i32 {
            %mul3A_255 = arith.constant 1 : i32
            %mul3A_256 = arith.muli %scan3A_254, %mul3A_255 : i32
            %add3A_257 = arith.constant 0 : i32
            %add3A_258 = arith.addi %add3A_257, %mul3A_256 : i32
            %mul3A_259 = arith.constant 64 : i32
            %mul3A_260 = arith.muli %add3A_258, %mul3A_259 : i32
            %add3A_261 = arith.constant 0 : i32
            %add3A_262 = arith.addi %mul3A_260, %add3A_261 : i32
            %get3A = arith.constant 7 : i32
            %get3A_263 = arith.index_cast %get3A : i32 to index
            %get3A_264 = arith.index_cast %add3A_262 : i32 to index
            %get3A_265 = tpu.vector_load %arg4[%get3A_263, %get3A_264] {strides = array<i32>} : memref<8x12800xf32, #tpu.memory_space<vmem>>, vector<1x16xf32>,
            %get3A_266 = vector.shape_cast %get3A_265 : vector<1x16xf32> to vector<16xf32>
            %swap3A = arith.index_cast %add3A_262 : i32 to index
            %swap3A_267 = tpu.vector_load %arg6[%swap3A] {strides = array<i32>} : memref<12800xf32, #tpu.memory_space<vmem>>, vector<16xf32>,
            %swap3A_268 = vector.shape_cast %swap3A_267 : vector<16xf32> to vector<16xf32>
            %swap3A_269 = vector.shape_cast %get3A_266 : vector<16xf32> to vector<16xf32>
            tpu.vector_store %arg6[%swap3A], %swap3A_269 {strides = array<i32>} : memref<12800xf32, #tpu.memory_space<vmem>>, vector<16xf32>,
            %mul3A_270 = arith.constant 64 : i32
            %mul3A_271 = arith.muli %add3A_258, %mul3A_270 : i32
            %add3A_272 = arith.constant 16 : i32
            %add3A_273 = arith.addi %mul3A_271, %add3A_272 : i32
            %get3A_274 = arith.constant 7 : i32
            %get3A_275 = arith.index_cast %get3A_274 : i32 to index
            %get3A_276 = arith.index_cast %add3A_273 : i32 to index
            %get3A_277 = tpu.vector_load %arg4[%get3A_275, %get3A_276] {strides = array<i32>} : memref<8x12800xf32, #tpu.memory_space<vmem>>, vector<1x16xf32>,
            %get3A_278 = vector.shape_cast %get3A_277 : vector<1x16xf32> to vector<16xf32>
            %swap3A_279 = arith.index_cast %add3A_273 : i32 to index
            %swap3A_280 = tpu.vector_load %arg6[%swap3A_279] {strides = array<i32>} : memref<12800xf32, #tpu.memory_space<vmem>>, vector<16xf32>,
            %swap3A_281 = vector.shape_cast %swap3A_280 : vector<16xf32> to vector<16xf32>
            %swap3A_282 = vector.shape_cast %get3A_278 : vector<16xf32> to vector<16xf32>
            tpu.vector_store %arg6[%swap3A_279], %swap3A_282 {strides = array<i32>} : memref<12800xf32, #tpu.memory_space<vmem>>, vector<16xf32>,
            %mul3A_283 = arith.constant 64 : i32
            %mul3A_284 = arith.muli %add3A_258, %mul3A_283 : i32
            %add3A_285 = arith.constant 32 : i32
            %add3A_286 = arith.addi %mul3A_284, %add3A_285 : i32
            %get3A_287 = arith.constant 7 : i32
            %get3A_288 = arith.index_cast %get3A_287 : i32 to index
            %get3A_289 = arith.index_cast %add3A_286 : i32 to index
            %get3A_290 = tpu.vector_load %arg4[%get3A_288, %get3A_289] {strides = array<i32>} : memref<8x12800xf32, #tpu.memory_space<vmem>>, vector<1x16xf32>,
            %get3A_291 = vector.shape_cast %get3A_290 : vector<1x16xf32> to vector<16xf32>
            %swap3A_292 = arith.index_cast %add3A_286 : i32 to index
            %swap3A_293 = tpu.vector_load %arg6[%swap3A_292] {strides = array<i32>} : memref<12800xf32, #tpu.memory_space<vmem>>, vector<16xf32>,
            %swap3A_294 = vector.shape_cast %swap3A_293 : vector<16xf32> to vector<16xf32>
            %swap3A_295 = vector.shape_cast %get3A_291 : vector<16xf32> to vector<16xf32>
            tpu.vector_store %arg6[%swap3A_292], %swap3A_295 {strides = array<i32>} : memref<12800xf32, #tpu.memory_space<vmem>>, vector<16xf32>,
            %mul3A_296 = arith.constant 64 : i32
            %mul3A_297 = arith.muli %add3A_258, %mul3A_296 : i32
            %add3A_298 = arith.constant 48 : i32
            %add3A_299 = arith.addi %mul3A_297, %add3A_298 : i32
            %get3A_300 = arith.constant 7 : i32
            %get3A_301 = arith.index_cast %get3A_300 : i32 to index
            %get3A_302 = arith.index_cast %add3A_299 : i32 to index
            %get3A_303 = tpu.vector_load %arg4[%get3A_301, %get3A_302] {strides = array<i32>} : memref<8x12800xf32, #tpu.memory_space<vmem>>, vector<1x16xf32>,
            %get3A_304 = vector.shape_cast %get3A_303 : vector<1x16xf32> to vector<16xf32>
            %swap3A_305 = arith.index_cast %add3A_299 : i32 to index
            %swap3A_306 = tpu.vector_load %arg6[%swap3A_305] {strides = array<i32>} : memref<12800xf32, #tpu.memory_space<vmem>>, vector<16xf32>,
            %swap3A_307 = vector.shape_cast %swap3A_306 : vector<16xf32> to vector<16xf32>
            %swap3A_308 = vector.shape_cast %get3A_304 : vector<16xf32> to vector<16xf32>
            tpu.vector_store %arg6[%swap3A_305], %swap3A_308 {strides = array<i32>} : memref<12800xf32, #tpu.memory_space<vmem>>, vector<16xf32>,
          }
          %scan3A_226 = arith.constant 200 : i32
          %mul3A_227 = arith.constant 8 : i32
          %mul3A_228 = arith.muli %mul3A_227, %add3A_30 : i32
          %add3A_229 = arith.constant 7 : i32
          %add3A_230 = arith.addi %mul3A_228, %add3A_229 : i32
          %mul3A_231 = arith.constant 1000000 : i32
          %mul3A_232 = arith.muli %add3A_230, %mul3A_231 : i32
          %add3A_233 = arith.addi %mul3A_232, %mul3A_57 : i32
          %dma_start3A_234 = tpu.memref_slice %arg3[%add3A_233] : memref<32000000xf32, #tpu.memory_space<hbm>> -> memref<12800xf32, #tpu.memory_space<hbm>>
          %dma_start3A_235 = tpu.memref_slice %arg3[%add3A_233] : memref<32000000xf32, #tpu.memory_space<hbm>> -> memref<12800xf32, #tpu.memory_space<hbm>>
          tpu.enqueue_dma source(%arg6 : memref<12800xf32, #tpu.memory_space<vmem>>) target(%dma_start3A_235 : memref<12800xf32, #tpu.memory_space<hbm>>) target_semaphore(%arg7 : memref<!tpu.dma_semaphore, #tpu.memory_space<semaphore_mem>>)
          %mul3A_236 = arith.constant 8 : i32
          %mul3A_237 = arith.muli %mul3A_236, %add3A_30 : i32
          %add3A_238 = arith.constant 6 : i32
          %add3A_239 = arith.addi %mul3A_237, %add3A_238 : i32
          %mul3A_240 = arith.constant 1000000 : i32
          %mul3A_241 = arith.muli %add3A_239, %mul3A_240 : i32
          %add3A_242 = arith.addi %mul3A_241, %mul3A_57 : i32
          %dma_wait3A_243 = tpu.memref_slice %arg3[%add3A_242] : memref<32000000xf32, #tpu.memory_space<hbm>> -> memref<12800xf32, #tpu.memory_space<hbm>>
          %dma_wait3A_244 = tpu.memref_slice %arg3[%add3A_242] : memref<32000000xf32, #tpu.memory_space<hbm>> -> memref<12800xf32, #tpu.memory_space<hbm>>
          tpu.wait_dma2 semaphore(%arg7 : memref<!tpu.dma_semaphore, #tpu.memory_space<semaphore_mem>>) src(%arg5 : memref<12800xf32, #tpu.memory_space<vmem>>) dst(%dma_wait3A_244 : memref<12800xf32, #tpu.memory_space<hbm>>)
          %mul3A_245 = arith.constant 8 : i32
          %mul3A_246 = arith.muli %mul3A_245, %add3A_30 : i32
          %add3A_247 = arith.constant 7 : i32
          %add3A_248 = arith.addi %mul3A_246, %add3A_247 : i32
          %mul3A_249 = arith.constant 1000000 : i32
          %mul3A_250 = arith.muli %add3A_248, %mul3A_249 : i32
          %add3A_251 = arith.addi %mul3A_250, %mul3A_57 : i32
          %dma_wait3A_252 = tpu.memref_slice %arg3[%add3A_251] : memref<32000000xf32, #tpu.memory_space<hbm>> -> memref<12800xf32, #tpu.memory_space<hbm>>
          %dma_wait3A_253 = tpu.memref_slice %arg3[%add3A_251] : memref<32000000xf32, #tpu.memory_space<hbm>> -> memref<12800xf32, #tpu.memory_space<hbm>>
          tpu.wait_dma2 semaphore(%arg7 : memref<!tpu.dma_semaphore, #tpu.memory_space<semaphore_mem>>) src(%arg6 : memref<12800xf32, #tpu.memory_space<vmem>>) dst(%dma_wait3A_253 : memref<12800xf32, #tpu.memory_space<hbm>>)
        } else {
        }
        %eq3A_51 = arith.constant 78 : i32
        %eq3A_52 = arith.cmpi eq, %select_n3A_45, %eq3A_51 : i32
        %convert_element_type3A_53 = arith.extui %eq3A_52 : i1 to i32
        %cond3A_54 = arith.constant 0 : i32
        %cond3A_55 = arith.cmpi ne, %convert_element_type3A_53, %cond3A_54 : i32
        scf.if %cond3A_55 {
          %mul3A_56 = arith.constant 8 : i32
          %mul3A_57 = arith.muli %mul3A_56, %add3A_30 : i32
          "tpu.region"() ({
            %run_scoped3A = tpu.sem_alloc : memref<!tpu.dma_semaphore, #tpu.memory_space<semaphore_mem>>
            %dma_start3A = arith.constant 0 : i32
            %dma_start3A_162 = arith.constant 0 : i32
            %dma_start3A_163 = tpu.memref_slice %arg4[%dma_start3A, %dma_start3A_162] : memref<8x12800xf32, #tpu.memory_space<vmem>> -> memref<8x1536xf32, #tpu.memory_space<vmem>>
            %dma_start3A_164 = arith.constant 998400 : i32
            %dma_start3A_165 = tpu.memref_slice %arg2[%mul3A_57, %dma_start3A_164] : memref<32x1000000xf32, #tpu.memory_space<hbm>> -> memref<8x1536xf32, #tpu.memory_space<hbm>>
            %dma_start3A_166 = arith.constant 0 : i32
            %dma_start3A_167 = arith.constant 0 : i32
            %dma_start3A_168 = tpu.memref_slice %arg4[%dma_start3A_166, %dma_start3A_167] : memref<8x12800xf32, #tpu.memory_space<vmem>> -> memref<8x1536xf32, #tpu.memory_space<vmem>>
            %dma_start3A_169 = arith.constant 998400 : i32
            %dma_start3A_170 = tpu.memref_slice %arg2[%mul3A_57, %dma_start3A_169] : memref<32x1000000xf32, #tpu.memory_space<hbm>> -> memref<8x1536xf32, #tpu.memory_space<hbm>>
            tpu.enqueue_dma source(%dma_start3A_170 : memref<8x1536xf32, #tpu.memory_space<hbm>>) target(%dma_start3A_168 : memref<8x1536xf32, #tpu.memory_space<vmem>>) target_semaphore(%run_scoped3A : memref<!tpu.dma_semaphore, #tpu.memory_space<semaphore_mem>>)
            %dma_wait3A = arith.constant 0 : i32
            %dma_wait3A_171 = arith.constant 0 : i32
            %dma_wait3A_172 = tpu.memref_slice %arg4[%dma_wait3A, %dma_wait3A_171] : memref<8x12800xf32, #tpu.memory_space<vmem>> -> memref<8x1536xf32, #tpu.memory_space<vmem>>
            %dma_wait3A_173 = arith.constant 998400 : i32
            %dma_wait3A_174 = tpu.memref_slice %arg2[%mul3A_57, %dma_wait3A_173] : memref<32x1000000xf32, #tpu.memory_space<hbm>> -> memref<8x1536xf32, #tpu.memory_space<hbm>>
            %dma_wait3A_175 = arith.constant 0 : i32
            %dma_wait3A_176 = arith.constant 0 : i32
            %dma_wait3A_177 = tpu.memref_slice %arg4[%dma_wait3A_175, %dma_wait3A_176] : memref<8x12800xf32, #tpu.memory_space<vmem>> -> memref<8x1536xf32, #tpu.memory_space<vmem>>
            %dma_wait3A_178 = arith.constant 998400 : i32
            %dma_wait3A_179 = tpu.memref_slice %arg2[%mul3A_57, %dma_wait3A_178] : memref<32x1000000xf32, #tpu.memory_space<hbm>> -> memref<8x1536xf32, #tpu.memory_space<hbm>>
            tpu.wait_dma2 semaphore(%run_scoped3A : memref<!tpu.dma_semaphore, #tpu.memory_space<semaphore_mem>>) src(%dma_wait3A_179 : memref<8x1536xf32, #tpu.memory_space<hbm>>) dst(%dma_wait3A_177 : memref<8x1536xf32, #tpu.memory_space<vmem>>)
            tpu.yield
          }) : () -> ()
          %scan3A_58 = arith.constant 0 : i32
          %scan3A_59 = arith.constant 96 : i32
          %scan3A_60 = arith.addi %scan3A_58, %scan3A_59 : i32
          %scan3A_61 = arith.constant 1 : i32
          scf.for %scan3A_162 = %scan3A_58 to %scan3A_60 step %scan3A_61  : i32 {
            %mul3A_163 = arith.constant 1 : i32
            %mul3A_164 = arith.muli %scan3A_162, %mul3A_163 : i32
            %add3A_165 = arith.constant 0 : i32
            %add3A_166 = arith.addi %add3A_165, %mul3A_164 : i32
            %mul3A_167 = arith.constant 16 : i32
            %mul3A_168 = arith.muli %add3A_166, %mul3A_167 : i32
            %get3A = arith.constant 0 : i32
            %get3A_169 = arith.index_cast %get3A : i32 to index
            %get3A_170 = arith.index_cast %mul3A_168 : i32 to index
            %get3A_171 = tpu.vector_load %arg4[%get3A_169, %get3A_170] {strides = array<i32>} : memref<8x12800xf32, #tpu.memory_space<vmem>>, vector<1x16xf32>,
            %get3A_172 = vector.shape_cast %get3A_171 : vector<1x16xf32> to vector<16xf32>
            %mul3A_173 = arith.constant 16 : i32
            %mul3A_174 = arith.muli %add3A_166, %mul3A_173 : i32
            %swap3A = arith.index_cast %mul3A_174 : i32 to index
            %swap3A_175 = tpu.vector_load %arg5[%swap3A] {strides = array<i32>} : memref<12800xf32, #tpu.memory_space<vmem>>, vector<16xf32>,
            %swap3A_176 = vector.shape_cast %swap3A_175 : vector<16xf32> to vector<16xf32>
            %swap3A_177 = vector.shape_cast %get3A_172 : vector<16xf32> to vector<16xf32>
            tpu.vector_store %arg5[%swap3A], %swap3A_177 {strides = array<i32>} : memref<12800xf32, #tpu.memory_space<vmem>>, vector<16xf32>,
          }
          %scan3A_62 = arith.constant 96 : i32
          %mul3A_63 = arith.constant 8 : i32
          %mul3A_64 = arith.muli %mul3A_63, %add3A_30 : i32
          %add3A_65 = arith.constant 0 : i32
          %add3A_66 = arith.addi %mul3A_64, %add3A_65 : i32
          %mul3A_67 = arith.constant 1000000 : i32
          %mul3A_68 = arith.muli %add3A_66, %mul3A_67 : i32
          %add3A_69 = arith.constant 998400 : i32
          %add3A_70 = arith.addi %mul3A_68, %add3A_69 : i32
          "tpu.region"() ({
            %run_scoped3A = tpu.sem_alloc : memref<!tpu.dma_semaphore, #tpu.memory_space<semaphore_mem>>
            %dma_start3A = arith.constant 0 : i32
            %dma_start3A_162 = tpu.memref_slice %arg5[%dma_start3A] : memref<12800xf32, #tpu.memory_space<vmem>> -> memref<1536xf32, #tpu.memory_space<vmem>>
            %dma_start3A_163 = tpu.memref_slice %arg3[%add3A_70] : memref<32000000xf32, #tpu.memory_space<hbm>> -> memref<1536xf32, #tpu.memory_space<hbm>>
            %dma_start3A_164 = tpu.memref_slice %arg3[%add3A_70] : memref<32000000xf32, #tpu.memory_space<hbm>> -> memref<1536xf32, #tpu.memory_space<hbm>>
            %dma_start3A_165 = arith.constant 0 : i32
            %dma_start3A_166 = tpu.memref_slice %arg5[%dma_start3A_165] : memref<12800xf32, #tpu.memory_space<vmem>> -> memref<1536xf32, #tpu.memory_space<vmem>>
            tpu.enqueue_dma source(%dma_start3A_166 : memref<1536xf32, #tpu.memory_space<vmem>>) target(%dma_start3A_164 : memref<1536xf32, #tpu.memory_space<hbm>>) target_semaphore(%run_scoped3A : memref<!tpu.dma_semaphore, #tpu.memory_space<semaphore_mem>>)
            %dma_wait3A = arith.constant 0 : i32
            %dma_wait3A_167 = tpu.memref_slice %arg5[%dma_wait3A] : memref<12800xf32, #tpu.memory_space<vmem>> -> memref<1536xf32, #tpu.memory_space<vmem>>
            %dma_wait3A_168 = tpu.memref_slice %arg3[%add3A_70] : memref<32000000xf32, #tpu.memory_space<hbm>> -> memref<1536xf32, #tpu.memory_space<hbm>>
            %dma_wait3A_169 = tpu.memref_slice %arg3[%add3A_70] : memref<32000000xf32, #tpu.memory_space<hbm>> -> memref<1536xf32, #tpu.memory_space<hbm>>
            %dma_wait3A_170 = arith.constant 0 : i32
            %dma_wait3A_171 = tpu.memref_slice %arg5[%dma_wait3A_170] : memref<12800xf32, #tpu.memory_space<vmem>> -> memref<1536xf32, #tpu.memory_space<vmem>>
            tpu.wait_dma2 semaphore(%run_scoped3A : memref<!tpu.dma_semaphore, #tpu.memory_space<semaphore_mem>>) src(%dma_wait3A_171 : memref<1536xf32, #tpu.memory_space<vmem>>) dst(%dma_wait3A_169 : memref<1536xf32, #tpu.memory_space<hbm>>)
            tpu.yield
          }) : () -> ()
          %scan3A_71 = arith.constant 0 : i32
          %scan3A_72 = arith.constant 96 : i32
          %scan3A_73 = arith.addi %scan3A_71, %scan3A_72 : i32
          %scan3A_74 = arith.constant 1 : i32
          scf.for %scan3A_162 = %scan3A_71 to %scan3A_73 step %scan3A_74  : i32 {
            %mul3A_163 = arith.constant 1 : i32
            %mul3A_164 = arith.muli %scan3A_162, %mul3A_163 : i32
            %add3A_165 = arith.constant 0 : i32
            %add3A_166 = arith.addi %add3A_165, %mul3A_164 : i32
            %mul3A_167 = arith.constant 16 : i32
            %mul3A_168 = arith.muli %add3A_166, %mul3A_167 : i32
            %get3A = arith.constant 1 : i32
            %get3A_169 = arith.index_cast %get3A : i32 to index
            %get3A_170 = arith.index_cast %mul3A_168 : i32 to index
            %get3A_171 = tpu.vector_load %arg4[%get3A_169, %get3A_170] {strides = array<i32>} : memref<8x12800xf32, #tpu.memory_space<vmem>>, vector<1x16xf32>,
            %get3A_172 = vector.shape_cast %get3A_171 : vector<1x16xf32> to vector<16xf32>
            %mul3A_173 = arith.constant 16 : i32
            %mul3A_174 = arith.muli %add3A_166, %mul3A_173 : i32
            %swap3A = arith.index_cast %mul3A_174 : i32 to index
            %swap3A_175 = tpu.vector_load %arg5[%swap3A] {strides = array<i32>} : memref<12800xf32, #tpu.memory_space<vmem>>, vector<16xf32>,
            %swap3A_176 = vector.shape_cast %swap3A_175 : vector<16xf32> to vector<16xf32>
            %swap3A_177 = vector.shape_cast %get3A_172 : vector<16xf32> to vector<16xf32>
            tpu.vector_store %arg5[%swap3A], %swap3A_177 {strides = array<i32>} : memref<12800xf32, #tpu.memory_space<vmem>>, vector<16xf32>,
          }
          %scan3A_75 = arith.constant 96 : i32
          %mul3A_76 = arith.constant 8 : i32
          %mul3A_77 = arith.muli %mul3A_76, %add3A_30 : i32
          %add3A_78 = arith.constant 1 : i32
          %add3A_79 = arith.addi %mul3A_77, %add3A_78 : i32
          %mul3A_80 = arith.constant 1000000 : i32
          %mul3A_81 = arith.muli %add3A_79, %mul3A_80 : i32
          %add3A_82 = arith.constant 998400 : i32
          %add3A_83 = arith.addi %mul3A_81, %add3A_82 : i32
          "tpu.region"() ({
            %run_scoped3A = tpu.sem_alloc : memref<!tpu.dma_semaphore, #tpu.memory_space<semaphore_mem>>
            %dma_start3A = arith.constant 0 : i32
            %dma_start3A_162 = tpu.memref_slice %arg5[%dma_start3A] : memref<12800xf32, #tpu.memory_space<vmem>> -> memref<1536xf32, #tpu.memory_space<vmem>>
            %dma_start3A_163 = tpu.memref_slice %arg3[%add3A_83] : memref<32000000xf32, #tpu.memory_space<hbm>> -> memref<1536xf32, #tpu.memory_space<hbm>>
            %dma_start3A_164 = tpu.memref_slice %arg3[%add3A_83] : memref<32000000xf32, #tpu.memory_space<hbm>> -> memref<1536xf32, #tpu.memory_space<hbm>>
            %dma_start3A_165 = arith.constant 0 : i32
            %dma_start3A_166 = tpu.memref_slice %arg5[%dma_start3A_165] : memref<12800xf32, #tpu.memory_space<vmem>> -> memref<1536xf32, #tpu.memory_space<vmem>>
            tpu.enqueue_dma source(%dma_start3A_166 : memref<1536xf32, #tpu.memory_space<vmem>>) target(%dma_start3A_164 : memref<1536xf32, #tpu.memory_space<hbm>>) target_semaphore(%run_scoped3A : memref<!tpu.dma_semaphore, #tpu.memory_space<semaphore_mem>>)
            %dma_wait3A = arith.constant 0 : i32
            %dma_wait3A_167 = tpu.memref_slice %arg5[%dma_wait3A] : memref<12800xf32, #tpu.memory_space<vmem>> -> memref<1536xf32, #tpu.memory_space<vmem>>
            %dma_wait3A_168 = tpu.memref_slice %arg3[%add3A_83] : memref<32000000xf32, #tpu.memory_space<hbm>> -> memref<1536xf32, #tpu.memory_space<hbm>>
            %dma_wait3A_169 = tpu.memref_slice %arg3[%add3A_83] : memref<32000000xf32, #tpu.memory_space<hbm>> -> memref<1536xf32, #tpu.memory_space<hbm>>
            %dma_wait3A_170 = arith.constant 0 : i32
            %dma_wait3A_171 = tpu.memref_slice %arg5[%dma_wait3A_170] : memref<12800xf32, #tpu.memory_space<vmem>> -> memref<1536xf32, #tpu.memory_space<vmem>>
            tpu.wait_dma2 semaphore(%run_scoped3A : memref<!tpu.dma_semaphore, #tpu.memory_space<semaphore_mem>>) src(%dma_wait3A_171 : memref<1536xf32, #tpu.memory_space<vmem>>) dst(%dma_wait3A_169 : memref<1536xf32, #tpu.memory_space<hbm>>)
            tpu.yield
          }) : () -> ()
          %scan3A_84 = arith.constant 0 : i32
          %scan3A_85 = arith.constant 96 : i32
          %scan3A_86 = arith.addi %scan3A_84, %scan3A_85 : i32
          %scan3A_87 = arith.constant 1 : i32
          scf.for %scan3A_162 = %scan3A_84 to %scan3A_86 step %scan3A_87  : i32 {
            %mul3A_163 = arith.constant 1 : i32
            %mul3A_164 = arith.muli %scan3A_162, %mul3A_163 : i32
            %add3A_165 = arith.constant 0 : i32
            %add3A_166 = arith.addi %add3A_165, %mul3A_164 : i32
            %mul3A_167 = arith.constant 16 : i32
            %mul3A_168 = arith.muli %add3A_166, %mul3A_167 : i32
            %get3A = arith.constant 2 : i32
            %get3A_169 = arith.index_cast %get3A : i32 to index
            %get3A_170 = arith.index_cast %mul3A_168 : i32 to index
            %get3A_171 = tpu.vector_load %arg4[%get3A_169, %get3A_170] {strides = array<i32>} : memref<8x12800xf32, #tpu.memory_space<vmem>>, vector<1x16xf32>,
            %get3A_172 = vector.shape_cast %get3A_171 : vector<1x16xf32> to vector<16xf32>
            %mul3A_173 = arith.constant 16 : i32
            %mul3A_174 = arith.muli %add3A_166, %mul3A_173 : i32
            %swap3A = arith.index_cast %mul3A_174 : i32 to index
            %swap3A_175 = tpu.vector_load %arg5[%swap3A] {strides = array<i32>} : memref<12800xf32, #tpu.memory_space<vmem>>, vector<16xf32>,
            %swap3A_176 = vector.shape_cast %swap3A_175 : vector<16xf32> to vector<16xf32>
            %swap3A_177 = vector.shape_cast %get3A_172 : vector<16xf32> to vector<16xf32>
            tpu.vector_store %arg5[%swap3A], %swap3A_177 {strides = array<i32>} : memref<12800xf32, #tpu.memory_space<vmem>>, vector<16xf32>,
          }
          %scan3A_88 = arith.constant 96 : i32
          %mul3A_89 = arith.constant 8 : i32
          %mul3A_90 = arith.muli %mul3A_89, %add3A_30 : i32
          %add3A_91 = arith.constant 2 : i32
          %add3A_92 = arith.addi %mul3A_90, %add3A_91 : i32
          %mul3A_93 = arith.constant 1000000 : i32
          %mul3A_94 = arith.muli %add3A_92, %mul3A_93 : i32
          %add3A_95 = arith.constant 998400 : i32
          %add3A_96 = arith.addi %mul3A_94, %add3A_95 : i32
          "tpu.region"() ({
            %run_scoped3A = tpu.sem_alloc : memref<!tpu.dma_semaphore, #tpu.memory_space<semaphore_mem>>
            %dma_start3A = arith.constant 0 : i32
            %dma_start3A_162 = tpu.memref_slice %arg5[%dma_start3A] : memref<12800xf32, #tpu.memory_space<vmem>> -> memref<1536xf32, #tpu.memory_space<vmem>>
            %dma_start3A_163 = tpu.memref_slice %arg3[%add3A_96] : memref<32000000xf32, #tpu.memory_space<hbm>> -> memref<1536xf32, #tpu.memory_space<hbm>>
            %dma_start3A_164 = tpu.memref_slice %arg3[%add3A_96] : memref<32000000xf32, #tpu.memory_space<hbm>> -> memref<1536xf32, #tpu.memory_space<hbm>>
            %dma_start3A_165 = arith.constant 0 : i32
            %dma_start3A_166 = tpu.memref_slice %arg5[%dma_start3A_165] : memref<12800xf32, #tpu.memory_space<vmem>> -> memref<1536xf32, #tpu.memory_space<vmem>>
            tpu.enqueue_dma source(%dma_start3A_166 : memref<1536xf32, #tpu.memory_space<vmem>>) target(%dma_start3A_164 : memref<1536xf32, #tpu.memory_space<hbm>>) target_semaphore(%run_scoped3A : memref<!tpu.dma_semaphore, #tpu.memory_space<semaphore_mem>>)
            %dma_wait3A = arith.constant 0 : i32
            %dma_wait3A_167 = tpu.memref_slice %arg5[%dma_wait3A] : memref<12800xf32, #tpu.memory_space<vmem>> -> memref<1536xf32, #tpu.memory_space<vmem>>
            %dma_wait3A_168 = tpu.memref_slice %arg3[%add3A_96] : memref<32000000xf32, #tpu.memory_space<hbm>> -> memref<1536xf32, #tpu.memory_space<hbm>>
            %dma_wait3A_169 = tpu.memref_slice %arg3[%add3A_96] : memref<32000000xf32, #tpu.memory_space<hbm>> -> memref<1536xf32, #tpu.memory_space<hbm>>
            %dma_wait3A_170 = arith.constant 0 : i32
            %dma_wait3A_171 = tpu.memref_slice %arg5[%dma_wait3A_170] : memref<12800xf32, #tpu.memory_space<vmem>> -> memref<1536xf32, #tpu.memory_space<vmem>>
            tpu.wait_dma2 semaphore(%run_scoped3A : memref<!tpu.dma_semaphore, #tpu.memory_space<semaphore_mem>>) src(%dma_wait3A_171 : memref<1536xf32, #tpu.memory_space<vmem>>) dst(%dma_wait3A_169 : memref<1536xf32, #tpu.memory_space<hbm>>)
            tpu.yield
          }) : () -> ()
          %scan3A_97 = arith.constant 0 : i32
          %scan3A_98 = arith.constant 96 : i32
          %scan3A_99 = arith.addi %scan3A_97, %scan3A_98 : i32
          %scan3A_100 = arith.constant 1 : i32
          scf.for %scan3A_162 = %scan3A_97 to %scan3A_99 step %scan3A_100  : i32 {
            %mul3A_163 = arith.constant 1 : i32
            %mul3A_164 = arith.muli %scan3A_162, %mul3A_163 : i32
            %add3A_165 = arith.constant 0 : i32
            %add3A_166 = arith.addi %add3A_165, %mul3A_164 : i32
            %mul3A_167 = arith.constant 16 : i32
            %mul3A_168 = arith.muli %add3A_166, %mul3A_167 : i32
            %get3A = arith.constant 3 : i32
            %get3A_169 = arith.index_cast %get3A : i32 to index
            %get3A_170 = arith.index_cast %mul3A_168 : i32 to index
            %get3A_171 = tpu.vector_load %arg4[%get3A_169, %get3A_170] {strides = array<i32>} : memref<8x12800xf32, #tpu.memory_space<vmem>>, vector<1x16xf32>,
            %get3A_172 = vector.shape_cast %get3A_171 : vector<1x16xf32> to vector<16xf32>
            %mul3A_173 = arith.constant 16 : i32
            %mul3A_174 = arith.muli %add3A_166, %mul3A_173 : i32
            %swap3A = arith.index_cast %mul3A_174 : i32 to index
            %swap3A_175 = tpu.vector_load %arg5[%swap3A] {strides = array<i32>} : memref<12800xf32, #tpu.memory_space<vmem>>, vector<16xf32>,
            %swap3A_176 = vector.shape_cast %swap3A_175 : vector<16xf32> to vector<16xf32>
            %swap3A_177 = vector.shape_cast %get3A_172 : vector<16xf32> to vector<16xf32>
            tpu.vector_store %arg5[%swap3A], %swap3A_177 {strides = array<i32>} : memref<12800xf32, #tpu.memory_space<vmem>>, vector<16xf32>,
          }
          %scan3A_101 = arith.constant 96 : i32
          %mul3A_102 = arith.constant 8 : i32
          %mul3A_103 = arith.muli %mul3A_102, %add3A_30 : i32
          %add3A_104 = arith.constant 3 : i32
          %add3A_105 = arith.addi %mul3A_103, %add3A_104 : i32
          %mul3A_106 = arith.constant 1000000 : i32
          %mul3A_107 = arith.muli %add3A_105, %mul3A_106 : i32
          %add3A_108 = arith.constant 998400 : i32
          %add3A_109 = arith.addi %mul3A_107, %add3A_108 : i32
          "tpu.region"() ({
            %run_scoped3A = tpu.sem_alloc : memref<!tpu.dma_semaphore, #tpu.memory_space<semaphore_mem>>
            %dma_start3A = arith.constant 0 : i32
            %dma_start3A_162 = tpu.memref_slice %arg5[%dma_start3A] : memref<12800xf32, #tpu.memory_space<vmem>> -> memref<1536xf32, #tpu.memory_space<vmem>>
            %dma_start3A_163 = tpu.memref_slice %arg3[%add3A_109] : memref<32000000xf32, #tpu.memory_space<hbm>> -> memref<1536xf32, #tpu.memory_space<hbm>>
            %dma_start3A_164 = tpu.memref_slice %arg3[%add3A_109] : memref<32000000xf32, #tpu.memory_space<hbm>> -> memref<1536xf32, #tpu.memory_space<hbm>>
            %dma_start3A_165 = arith.constant 0 : i32
            %dma_start3A_166 = tpu.memref_slice %arg5[%dma_start3A_165] : memref<12800xf32, #tpu.memory_space<vmem>> -> memref<1536xf32, #tpu.memory_space<vmem>>
            tpu.enqueue_dma source(%dma_start3A_166 : memref<1536xf32, #tpu.memory_space<vmem>>) target(%dma_start3A_164 : memref<1536xf32, #tpu.memory_space<hbm>>) target_semaphore(%run_scoped3A : memref<!tpu.dma_semaphore, #tpu.memory_space<semaphore_mem>>)
            %dma_wait3A = arith.constant 0 : i32
            %dma_wait3A_167 = tpu.memref_slice %arg5[%dma_wait3A] : memref<12800xf32, #tpu.memory_space<vmem>> -> memref<1536xf32, #tpu.memory_space<vmem>>
            %dma_wait3A_168 = tpu.memref_slice %arg3[%add3A_109] : memref<32000000xf32, #tpu.memory_space<hbm>> -> memref<1536xf32, #tpu.memory_space<hbm>>
            %dma_wait3A_169 = tpu.memref_slice %arg3[%add3A_109] : memref<32000000xf32, #tpu.memory_space<hbm>> -> memref<1536xf32, #tpu.memory_space<hbm>>
            %dma_wait3A_170 = arith.constant 0 : i32
            %dma_wait3A_171 = tpu.memref_slice %arg5[%dma_wait3A_170] : memref<12800xf32, #tpu.memory_space<vmem>> -> memref<1536xf32, #tpu.memory_space<vmem>>
            tpu.wait_dma2 semaphore(%run_scoped3A : memref<!tpu.dma_semaphore, #tpu.memory_space<semaphore_mem>>) src(%dma_wait3A_171 : memref<1536xf32, #tpu.memory_space<vmem>>) dst(%dma_wait3A_169 : memref<1536xf32, #tpu.memory_space<hbm>>)
            tpu.yield
          }) : () -> ()
          %scan3A_110 = arith.constant 0 : i32
          %scan3A_111 = arith.constant 96 : i32
          %scan3A_112 = arith.addi %scan3A_110, %scan3A_111 : i32
          %scan3A_113 = arith.constant 1 : i32
          scf.for %scan3A_162 = %scan3A_110 to %scan3A_112 step %scan3A_113  : i32 {
            %mul3A_163 = arith.constant 1 : i32
            %mul3A_164 = arith.muli %scan3A_162, %mul3A_163 : i32
            %add3A_165 = arith.constant 0 : i32
            %add3A_166 = arith.addi %add3A_165, %mul3A_164 : i32
            %mul3A_167 = arith.constant 16 : i32
            %mul3A_168 = arith.muli %add3A_166, %mul3A_167 : i32
            %get3A = arith.constant 4 : i32
            %get3A_169 = arith.index_cast %get3A : i32 to index
            %get3A_170 = arith.index_cast %mul3A_168 : i32 to index
            %get3A_171 = tpu.vector_load %arg4[%get3A_169, %get3A_170] {strides = array<i32>} : memref<8x12800xf32, #tpu.memory_space<vmem>>, vector<1x16xf32>,
            %get3A_172 = vector.shape_cast %get3A_171 : vector<1x16xf32> to vector<16xf32>
            %mul3A_173 = arith.constant 16 : i32
            %mul3A_174 = arith.muli %add3A_166, %mul3A_173 : i32
            %swap3A = arith.index_cast %mul3A_174 : i32 to index
            %swap3A_175 = tpu.vector_load %arg5[%swap3A] {strides = array<i32>} : memref<12800xf32, #tpu.memory_space<vmem>>, vector<16xf32>,
            %swap3A_176 = vector.shape_cast %swap3A_175 : vector<16xf32> to vector<16xf32>
            %swap3A_177 = vector.shape_cast %get3A_172 : vector<16xf32> to vector<16xf32>
            tpu.vector_store %arg5[%swap3A], %swap3A_177 {strides = array<i32>} : memref<12800xf32, #tpu.memory_space<vmem>>, vector<16xf32>,
          }
          %scan3A_114 = arith.constant 96 : i32
          %mul3A_115 = arith.constant 8 : i32
          %mul3A_116 = arith.muli %mul3A_115, %add3A_30 : i32
          %add3A_117 = arith.constant 4 : i32
          %add3A_118 = arith.addi %mul3A_116, %add3A_117 : i32
          %mul3A_119 = arith.constant 1000000 : i32
          %mul3A_120 = arith.muli %add3A_118, %mul3A_119 : i32
          %add3A_121 = arith.constant 998400 : i32
          %add3A_122 = arith.addi %mul3A_120, %add3A_121 : i32
          "tpu.region"() ({
            %run_scoped3A = tpu.sem_alloc : memref<!tpu.dma_semaphore, #tpu.memory_space<semaphore_mem>>
            %dma_start3A = arith.constant 0 : i32
            %dma_start3A_162 = tpu.memref_slice %arg5[%dma_start3A] : memref<12800xf32, #tpu.memory_space<vmem>> -> memref<1536xf32, #tpu.memory_space<vmem>>
            %dma_start3A_163 = tpu.memref_slice %arg3[%add3A_122] : memref<32000000xf32, #tpu.memory_space<hbm>> -> memref<1536xf32, #tpu.memory_space<hbm>>
            %dma_start3A_164 = tpu.memref_slice %arg3[%add3A_122] : memref<32000000xf32, #tpu.memory_space<hbm>> -> memref<1536xf32, #tpu.memory_space<hbm>>
            %dma_start3A_165 = arith.constant 0 : i32
            %dma_start3A_166 = tpu.memref_slice %arg5[%dma_start3A_165] : memref<12800xf32, #tpu.memory_space<vmem>> -> memref<1536xf32, #tpu.memory_space<vmem>>
            tpu.enqueue_dma source(%dma_start3A_166 : memref<1536xf32, #tpu.memory_space<vmem>>) target(%dma_start3A_164 : memref<1536xf32, #tpu.memory_space<hbm>>) target_semaphore(%run_scoped3A : memref<!tpu.dma_semaphore, #tpu.memory_space<semaphore_mem>>)
            %dma_wait3A = arith.constant 0 : i32
            %dma_wait3A_167 = tpu.memref_slice %arg5[%dma_wait3A] : memref<12800xf32, #tpu.memory_space<vmem>> -> memref<1536xf32, #tpu.memory_space<vmem>>
            %dma_wait3A_168 = tpu.memref_slice %arg3[%add3A_122] : memref<32000000xf32, #tpu.memory_space<hbm>> -> memref<1536xf32, #tpu.memory_space<hbm>>
            %dma_wait3A_169 = tpu.memref_slice %arg3[%add3A_122] : memref<32000000xf32, #tpu.memory_space<hbm>> -> memref<1536xf32, #tpu.memory_space<hbm>>
            %dma_wait3A_170 = arith.constant 0 : i32
            %dma_wait3A_171 = tpu.memref_slice %arg5[%dma_wait3A_170] : memref<12800xf32, #tpu.memory_space<vmem>> -> memref<1536xf32, #tpu.memory_space<vmem>>
            tpu.wait_dma2 semaphore(%run_scoped3A : memref<!tpu.dma_semaphore, #tpu.memory_space<semaphore_mem>>) src(%dma_wait3A_171 : memref<1536xf32, #tpu.memory_space<vmem>>) dst(%dma_wait3A_169 : memref<1536xf32, #tpu.memory_space<hbm>>)
            tpu.yield
          }) : () -> ()
          %scan3A_123 = arith.constant 0 : i32
          %scan3A_124 = arith.constant 96 : i32
          %scan3A_125 = arith.addi %scan3A_123, %scan3A_124 : i32
          %scan3A_126 = arith.constant 1 : i32
          scf.for %scan3A_162 = %scan3A_123 to %scan3A_125 step %scan3A_126  : i32 {
            %mul3A_163 = arith.constant 1 : i32
            %mul3A_164 = arith.muli %scan3A_162, %mul3A_163 : i32
            %add3A_165 = arith.constant 0 : i32
            %add3A_166 = arith.addi %add3A_165, %mul3A_164 : i32
            %mul3A_167 = arith.constant 16 : i32
            %mul3A_168 = arith.muli %add3A_166, %mul3A_167 : i32
            %get3A = arith.constant 5 : i32
            %get3A_169 = arith.index_cast %get3A : i32 to index
            %get3A_170 = arith.index_cast %mul3A_168 : i32 to index
            %get3A_171 = tpu.vector_load %arg4[%get3A_169, %get3A_170] {strides = array<i32>} : memref<8x12800xf32, #tpu.memory_space<vmem>>, vector<1x16xf32>,
            %get3A_172 = vector.shape_cast %get3A_171 : vector<1x16xf32> to vector<16xf32>
            %mul3A_173 = arith.constant 16 : i32
            %mul3A_174 = arith.muli %add3A_166, %mul3A_173 : i32
            %swap3A = arith.index_cast %mul3A_174 : i32 to index
            %swap3A_175 = tpu.vector_load %arg5[%swap3A] {strides = array<i32>} : memref<12800xf32, #tpu.memory_space<vmem>>, vector<16xf32>,
            %swap3A_176 = vector.shape_cast %swap3A_175 : vector<16xf32> to vector<16xf32>
            %swap3A_177 = vector.shape_cast %get3A_172 : vector<16xf32> to vector<16xf32>
            tpu.vector_store %arg5[%swap3A], %swap3A_177 {strides = array<i32>} : memref<12800xf32, #tpu.memory_space<vmem>>, vector<16xf32>,
          }
          %scan3A_127 = arith.constant 96 : i32
          %mul3A_128 = arith.constant 8 : i32
          %mul3A_129 = arith.muli %mul3A_128, %add3A_30 : i32
          %add3A_130 = arith.constant 5 : i32
          %add3A_131 = arith.addi %mul3A_129, %add3A_130 : i32
          %mul3A_132 = arith.constant 1000000 : i32
          %mul3A_133 = arith.muli %add3A_131, %mul3A_132 : i32
          %add3A_134 = arith.constant 998400 : i32
          %add3A_135 = arith.addi %mul3A_133, %add3A_134 : i32
          "tpu.region"() ({
            %run_scoped3A = tpu.sem_alloc : memref<!tpu.dma_semaphore, #tpu.memory_space<semaphore_mem>>
            %dma_start3A = arith.constant 0 : i32
            %dma_start3A_162 = tpu.memref_slice %arg5[%dma_start3A] : memref<12800xf32, #tpu.memory_space<vmem>> -> memref<1536xf32, #tpu.memory_space<vmem>>
            %dma_start3A_163 = tpu.memref_slice %arg3[%add3A_135] : memref<32000000xf32, #tpu.memory_space<hbm>> -> memref<1536xf32, #tpu.memory_space<hbm>>
            %dma_start3A_164 = tpu.memref_slice %arg3[%add3A_135] : memref<32000000xf32, #tpu.memory_space<hbm>> -> memref<1536xf32, #tpu.memory_space<hbm>>
            %dma_start3A_165 = arith.constant 0 : i32
            %dma_start3A_166 = tpu.memref_slice %arg5[%dma_start3A_165] : memref<12800xf32, #tpu.memory_space<vmem>> -> memref<1536xf32, #tpu.memory_space<vmem>>
            tpu.enqueue_dma source(%dma_start3A_166 : memref<1536xf32, #tpu.memory_space<vmem>>) target(%dma_start3A_164 : memref<1536xf32, #tpu.memory_space<hbm>>) target_semaphore(%run_scoped3A : memref<!tpu.dma_semaphore, #tpu.memory_space<semaphore_mem>>)
            %dma_wait3A = arith.constant 0 : i32
            %dma_wait3A_167 = tpu.memref_slice %arg5[%dma_wait3A] : memref<12800xf32, #tpu.memory_space<vmem>> -> memref<1536xf32, #tpu.memory_space<vmem>>
            %dma_wait3A_168 = tpu.memref_slice %arg3[%add3A_135] : memref<32000000xf32, #tpu.memory_space<hbm>> -> memref<1536xf32, #tpu.memory_space<hbm>>
            %dma_wait3A_169 = tpu.memref_slice %arg3[%add3A_135] : memref<32000000xf32, #tpu.memory_space<hbm>> -> memref<1536xf32, #tpu.memory_space<hbm>>
            %dma_wait3A_170 = arith.constant 0 : i32
            %dma_wait3A_171 = tpu.memref_slice %arg5[%dma_wait3A_170] : memref<12800xf32, #tpu.memory_space<vmem>> -> memref<1536xf32, #tpu.memory_space<vmem>>
            tpu.wait_dma2 semaphore(%run_scoped3A : memref<!tpu.dma_semaphore, #tpu.memory_space<semaphore_mem>>) src(%dma_wait3A_171 : memref<1536xf32, #tpu.memory_space<vmem>>) dst(%dma_wait3A_169 : memref<1536xf32, #tpu.memory_space<hbm>>)
            tpu.yield
          }) : () -> ()
          %scan3A_136 = arith.constant 0 : i32
          %scan3A_137 = arith.constant 96 : i32
          %scan3A_138 = arith.addi %scan3A_136, %scan3A_137 : i32
          %scan3A_139 = arith.constant 1 : i32
          scf.for %scan3A_162 = %scan3A_136 to %scan3A_138 step %scan3A_139  : i32 {
            %mul3A_163 = arith.constant 1 : i32
            %mul3A_164 = arith.muli %scan3A_162, %mul3A_163 : i32
            %add3A_165 = arith.constant 0 : i32
            %add3A_166 = arith.addi %add3A_165, %mul3A_164 : i32
            %mul3A_167 = arith.constant 16 : i32
            %mul3A_168 = arith.muli %add3A_166, %mul3A_167 : i32
            %get3A = arith.constant 6 : i32
            %get3A_169 = arith.index_cast %get3A : i32 to index
            %get3A_170 = arith.index_cast %mul3A_168 : i32 to index
            %get3A_171 = tpu.vector_load %arg4[%get3A_169, %get3A_170] {strides = array<i32>} : memref<8x12800xf32, #tpu.memory_space<vmem>>, vector<1x16xf32>,
            %get3A_172 = vector.shape_cast %get3A_171 : vector<1x16xf32> to vector<16xf32>
            %mul3A_173 = arith.constant 16 : i32
            %mul3A_174 = arith.muli %add3A_166, %mul3A_173 : i32
            %swap3A = arith.index_cast %mul3A_174 : i32 to index
            %swap3A_175 = tpu.vector_load %arg5[%swap3A] {strides = array<i32>} : memref<12800xf32, #tpu.memory_space<vmem>>, vector<16xf32>,
            %swap3A_176 = vector.shape_cast %swap3A_175 : vector<16xf32> to vector<16xf32>
            %swap3A_177 = vector.shape_cast %get3A_172 : vector<16xf32> to vector<16xf32>
            tpu.vector_store %arg5[%swap3A], %swap3A_177 {strides = array<i32>} : memref<12800xf32, #tpu.memory_space<vmem>>, vector<16xf32>,
          }
          %scan3A_140 = arith.constant 96 : i32
          %mul3A_141 = arith.constant 8 : i32
          %mul3A_142 = arith.muli %mul3A_141, %add3A_30 : i32
          %add3A_143 = arith.constant 6 : i32
          %add3A_144 = arith.addi %mul3A_142, %add3A_143 : i32
          %mul3A_145 = arith.constant 1000000 : i32
          %mul3A_146 = arith.muli %add3A_144, %mul3A_145 : i32
          %add3A_147 = arith.constant 998400 : i32
          %add3A_148 = arith.addi %mul3A_146, %add3A_147 : i32
          "tpu.region"() ({
            %run_scoped3A = tpu.sem_alloc : memref<!tpu.dma_semaphore, #tpu.memory_space<semaphore_mem>>
            %dma_start3A = arith.constant 0 : i32
            %dma_start3A_162 = tpu.memref_slice %arg5[%dma_start3A] : memref<12800xf32, #tpu.memory_space<vmem>> -> memref<1536xf32, #tpu.memory_space<vmem>>
            %dma_start3A_163 = tpu.memref_slice %arg3[%add3A_148] : memref<32000000xf32, #tpu.memory_space<hbm>> -> memref<1536xf32, #tpu.memory_space<hbm>>
            %dma_start3A_164 = tpu.memref_slice %arg3[%add3A_148] : memref<32000000xf32, #tpu.memory_space<hbm>> -> memref<1536xf32, #tpu.memory_space<hbm>>
            %dma_start3A_165 = arith.constant 0 : i32
            %dma_start3A_166 = tpu.memref_slice %arg5[%dma_start3A_165] : memref<12800xf32, #tpu.memory_space<vmem>> -> memref<1536xf32, #tpu.memory_space<vmem>>
            tpu.enqueue_dma source(%dma_start3A_166 : memref<1536xf32, #tpu.memory_space<vmem>>) target(%dma_start3A_164 : memref<1536xf32, #tpu.memory_space<hbm>>) target_semaphore(%run_scoped3A : memref<!tpu.dma_semaphore, #tpu.memory_space<semaphore_mem>>)
            %dma_wait3A = arith.constant 0 : i32
            %dma_wait3A_167 = tpu.memref_slice %arg5[%dma_wait3A] : memref<12800xf32, #tpu.memory_space<vmem>> -> memref<1536xf32, #tpu.memory_space<vmem>>
            %dma_wait3A_168 = tpu.memref_slice %arg3[%add3A_148] : memref<32000000xf32, #tpu.memory_space<hbm>> -> memref<1536xf32, #tpu.memory_space<hbm>>
            %dma_wait3A_169 = tpu.memref_slice %arg3[%add3A_148] : memref<32000000xf32, #tpu.memory_space<hbm>> -> memref<1536xf32, #tpu.memory_space<hbm>>
            %dma_wait3A_170 = arith.constant 0 : i32
            %dma_wait3A_171 = tpu.memref_slice %arg5[%dma_wait3A_170] : memref<12800xf32, #tpu.memory_space<vmem>> -> memref<1536xf32, #tpu.memory_space<vmem>>
            tpu.wait_dma2 semaphore(%run_scoped3A : memref<!tpu.dma_semaphore, #tpu.memory_space<semaphore_mem>>) src(%dma_wait3A_171 : memref<1536xf32, #tpu.memory_space<vmem>>) dst(%dma_wait3A_169 : memref<1536xf32, #tpu.memory_space<hbm>>)
            tpu.yield
          }) : () -> ()
          %scan3A_149 = arith.constant 0 : i32
          %scan3A_150 = arith.constant 96 : i32
          %scan3A_151 = arith.addi %scan3A_149, %scan3A_150 : i32
          %scan3A_152 = arith.constant 1 : i32
          scf.for %scan3A_162 = %scan3A_149 to %scan3A_151 step %scan3A_152  : i32 {
            %mul3A_163 = arith.constant 1 : i32
            %mul3A_164 = arith.muli %scan3A_162, %mul3A_163 : i32
            %add3A_165 = arith.constant 0 : i32
            %add3A_166 = arith.addi %add3A_165, %mul3A_164 : i32
            %mul3A_167 = arith.constant 16 : i32
            %mul3A_168 = arith.muli %add3A_166, %mul3A_167 : i32
            %get3A = arith.constant 7 : i32
            %get3A_169 = arith.index_cast %get3A : i32 to index
            %get3A_170 = arith.index_cast %mul3A_168 : i32 to index
            %get3A_171 = tpu.vector_load %arg4[%get3A_169, %get3A_170] {strides = array<i32>} : memref<8x12800xf32, #tpu.memory_space<vmem>>, vector<1x16xf32>,
            %get3A_172 = vector.shape_cast %get3A_171 : vector<1x16xf32> to vector<16xf32>
            %mul3A_173 = arith.constant 16 : i32
            %mul3A_174 = arith.muli %add3A_166, %mul3A_173 : i32
            %swap3A = arith.index_cast %mul3A_174 : i32 to index
            %swap3A_175 = tpu.vector_load %arg5[%swap3A] {strides = array<i32>} : memref<12800xf32, #tpu.memory_space<vmem>>, vector<16xf32>,
            %swap3A_176 = vector.shape_cast %swap3A_175 : vector<16xf32> to vector<16xf32>
            %swap3A_177 = vector.shape_cast %get3A_172 : vector<16xf32> to vector<16xf32>
            tpu.vector_store %arg5[%swap3A], %swap3A_177 {strides = array<i32>} : memref<12800xf32, #tpu.memory_space<vmem>>, vector<16xf32>,
          }
          %scan3A_153 = arith.constant 96 : i32
          %mul3A_154 = arith.constant 8 : i32
          %mul3A_155 = arith.muli %mul3A_154, %add3A_30 : i32
          %add3A_156 = arith.constant 7 : i32
          %add3A_157 = arith.addi %mul3A_155, %add3A_156 : i32
          %mul3A_158 = arith.constant 1000000 : i32
          %mul3A_159 = arith.muli %add3A_157, %mul3A_158 : i32
          %add3A_160 = arith.constant 998400 : i32
          %add3A_161 = arith.addi %mul3A_159, %add3A_160 : i32
          "tpu.region"() ({
            %run_scoped3A = tpu.sem_alloc : memref<!tpu.dma_semaphore, #tpu.memory_space<semaphore_mem>>
            %dma_start3A = arith.constant 0 : i32
            %dma_start3A_162 = tpu.memref_slice %arg5[%dma_start3A] : memref<12800xf32, #tpu.memory_space<vmem>> -> memref<1536xf32, #tpu.memory_space<vmem>>
            %dma_start3A_163 = tpu.memref_slice %arg3[%add3A_161] : memref<32000000xf32, #tpu.memory_space<hbm>> -> memref<1536xf32, #tpu.memory_space<hbm>>
            %dma_start3A_164 = tpu.memref_slice %arg3[%add3A_161] : memref<32000000xf32, #tpu.memory_space<hbm>> -> memref<1536xf32, #tpu.memory_space<hbm>>
            %dma_start3A_165 = arith.constant 0 : i32
            %dma_start3A_166 = tpu.memref_slice %arg5[%dma_start3A_165] : memref<12800xf32, #tpu.memory_space<vmem>> -> memref<1536xf32, #tpu.memory_space<vmem>>
            tpu.enqueue_dma source(%dma_start3A_166 : memref<1536xf32, #tpu.memory_space<vmem>>) target(%dma_start3A_164 : memref<1536xf32, #tpu.memory_space<hbm>>) target_semaphore(%run_scoped3A : memref<!tpu.dma_semaphore, #tpu.memory_space<semaphore_mem>>)
            %dma_wait3A = arith.constant 0 : i32
            %dma_wait3A_167 = tpu.memref_slice %arg5[%dma_wait3A] : memref<12800xf32, #tpu.memory_space<vmem>> -> memref<1536xf32, #tpu.memory_space<vmem>>
            %dma_wait3A_168 = tpu.memref_slice %arg3[%add3A_161] : memref<32000000xf32, #tpu.memory_space<hbm>> -> memref<1536xf32, #tpu.memory_space<hbm>>
            %dma_wait3A_169 = tpu.memref_slice %arg3[%add3A_161] : memref<32000000xf32, #tpu.memory_space<hbm>> -> memref<1536xf32, #tpu.memory_space<hbm>>
            %dma_wait3A_170 = arith.constant 0 : i32
            %dma_wait3A_171 = tpu.memref_slice %arg5[%dma_wait3A_170] : memref<12800xf32, #tpu.memory_space<vmem>> -> memref<1536xf32, #tpu.memory_space<vmem>>
            tpu.wait_dma2 semaphore(%run_scoped3A : memref<!tpu.dma_semaphore, #tpu.memory_space<semaphore_mem>>) src(%dma_wait3A_171 : memref<1536xf32, #tpu.memory_space<vmem>>) dst(%dma_wait3A_169 : memref<1536xf32, #tpu.memory_space<hbm>>)
            tpu.yield
          }) : () -> ()
        } else {
        }
      } else {
      }
    }
    %scan3A_3 = arith.constant 10 : i32
    return
  }
}

</mosaic_0001>

<sc_bundles>
// kernel: _sc_relayout.3.cloned.1.call-start
scs
__scs_entry_jumppad:
0x0: {  	(pc) =	sbr.rel $0x88, $3  }
0x1: {  	(tag) =	ssettag $0x0;
	lr =	simm.s32 $0x1  }
0x2: {  	[smem:$0x3FA0] =	sst lr;
	_ =	strace $0xD0000000  }
0x3: {  	_ = 	snop  }
0x4: {  	_ = 	snop  }
0x5: {  	_ = 	snop  }
0x6: {  	_ = 	snop  }
0x7: {  	_ = 	snop  }
__scs_overlays_trampoline_lowered:
0x8: {  	[smem:$0x3FAF] =	sst s0  }
0x9: {  	[smem:$0x3FB0] =	sst s1  }
0xa: {  	[smem:$0x3FB1] =	sst s2  }
0xb: {  	[smem:$0x3FB2] =	sst s3  }
0xc: {  	[smem:$0x3FB3] =	sst s4  }
0xd: {  	[smem:$0x3FB4] =	sst s5  }
0xe: {  	[smem:$0x3FB5] =	sst s6  }
0xf: {  	[smem:$0x3FB6] =	sst s7  }
0x10: {  	[smem:$0x3FB7] =	sst s8  }
0x11: {  	[smem:$0x3FB8] =	sst s9;
	s0 =	simm.s32 @!p0 $0x0  }
0x12: {  	s1 =	sld [smem:$0x3F9E];
	s0 =	simm.s32 @p0 $0x1  }
0x13: {  	[smem:$0x3FB9] =	sst s0;
	s0 =	simm.s32 @!p1 $0x0  }
0x14: {  	s2 =	sld [smem:$0x3F9D];
	s0 =	simm.s32 @p1 $0x1  }
0x15: {  	[smem:$0x3FBA] =	sst s0;
	s0 =	simm.s32 @!p2 $0x0  }
0x16: {  	s3 =	sld [smem:$0x3FDB];
	s0 =	simm.s32 @p2 $0x1  }
0x17: {  	s4 =	simm.s32 $0x1BF5;
	[smem:$0x3FBC] =	sst s0  }
0x18: {  	s0 =	sld [smem:$0x3F9F];
	_ =	swait.ge [sflag:s4], $0x0  }
0x19: {  	s7 =	sld [smem:$0x3FA0]  }
0x1a: {  	s8 =	sadd.s32 $0xFFFFE003, lr  }
0x1b: {  	s9 =	sadd.s32 $0xFFFFFEF7, lr;
	s5 =	simm.s32 $0xFFFFFFFF;
	p2 =	slt.u32 s8, $0xFFFFF086  }
0x1c: {  	p1 =	slt.u32 s9, $0xF7A;
	s5 =	simm.s32 @!p2 $0x0  }
0x1d: {  	s5 =	simm.s32 @p1 $0x1;
	p0 =	seq.s32 s7, s2  }
0x1e: {  	s7 =	smul.u32 @!p0 $0xF7A, s2;
	p2 =	seq.s32 @!p0 s5, $0x0  }
0x1f: {  	s9 =	smul.u32 $0xF7A, s1;
	s8 =	simm.s32 @!p0 $0x1BF5;
	p2 =	por !p2, p0  }
0x20: {  	[sflag:s8] =	ssyncset.s32 @!p0 $0xFFFFF086;
	s6 =	sadd.s32 @!p0 s3, s7;
	s7 =	simm.s32 @!p0 $0x108  }
0x21: {  	s3 =	sadd.s32 s3, s9;
	s6 =	sadd.s32 @!p0 $0x88, s6;
	s7 =	simm.s32 @p2 $0x1082  }
0x22: {  	[simem:s7], [sflag:s8] =	dma.local @!p0 [hbm:s6], $0xF7A  }
0x23: {  	s9 =	sor.u32 $0xD0000000, s2;
	s6 =	simm.s32 $0x108;
	_ =	swait.ge @!p0 [sflag:s8], $0x0  }
0x24: {  	s3 =	sadd.s32 $0x88, s3;
	s6 =	simm.s32 @!p1 $0x1082;
	[sflag:s4] =	ssyncset.s32 $0xFFFFF086  }
0x25: {  	[simem:s6], [sflag:s4] =	dma.local [hbm:s3], $0xF7A  }
0x26: {  	[smem:$0x3FA0] =	sst s1;
	(tag) =	ssettag s2;
	_ =	strace s9  }
0x27: {  	s1 =	sld [smem:$0x3FB0]  }
0x28: {  	s2 =	sld [smem:$0x3FB1]  }
0x29: {  	s4 =	sld [smem:$0x3FB3]  }
0x2a: {  	p0 =	seq.s32 s5, $0x0;
	s5 =	sld [smem:$0x3FB4]  }
0x2b: {  	s6 =	sld [smem:$0x3FB5]  }
0x2c: {  	s7 =	sld [smem:$0x3FB6]  }
0x2d: {  	s3 =	simm.s32 $0x108;
	s8 =	sld [smem:$0x3FB7]  }
0x2e: {  	s3 =	simm.s32 @!p0 $0x1082;
	s9 =	sld [smem:$0x3FB8]  }
0x2f: {  	lr =	sadd.s32 s0, s3;
	s0 =	sld [smem:$0x3FAF]  }
0x30: {  	s3 =	sld [smem:$0x3FB2]  }
0x31: {  	[smem:$0x3FBB] =	sst s10  }
0x32: {  	s10 =	sld [smem:$0x3FB9];
	_ =	sdelay $0x3  }
0x33: {  	p0 =	seq.s32 s10, $0x1;
	s10 =	sld [smem:$0x3FBB];
	_ =	sdelay $0x3  }
0x34: {  	[smem:$0x3FBB] =	sst s10  }
0x35: {  	s10 =	sld [smem:$0x3FBA];
	_ =	sdelay $0x3  }
0x36: {  	p1 =	seq.s32 s10, $0x1;
	s10 =	sld [smem:$0x3FBB];
	_ =	sdelay $0x3  }
0x37: {  	[smem:$0x3FBB] =	sst s10  }
0x38: {  	s10 =	sld [smem:$0x3FBC]  }
0x39: {  	_ = 	snop;
	(pc) =	sbr.ind lr, $3  }
0x3a: {  	_ = 	snop  }
0x3b: {  	_ = 	snop  }
0x3c: {  	p2 =	seq.s32 s10, $0x1;
	s10 =	sld [smem:$0x3FBB]  }
0x3d: {  	_ =	shalt  }
0x3e: {  	_ =	shalt  }
0x3f: {  	_ =	shalt  }
0x40: {  	_ =	shalt  }
0x41: {  	_ =	shalt  }
0x42: {  	_ =	shalt  }
0x43: {  	_ =	shalt  }
0x44: {  	_ =	shalt  }
0x45: {  	_ =	shalt  }
0x46: {  	_ =	shalt  }
0x47: {  	_ =	shalt  }
0x48: {  	_ =	shalt  }
0x49: {  	_ =	shalt  }
0x4a: {  	_ =	shalt  }
0x4b: {  	_ =	shalt  }
0x4c: {  	_ =	shalt  }
0x4d: {  	_ =	shalt  }
0x4e: {  	_ =	shalt  }
0x4f: {  	_ =	shalt  }
0x50: {  	_ =	shalt  }
0x51: {  	_ =	shalt  }
0x52: {  	_ =	shalt  }
0x53: {  	_ =	shalt  }
0x54: {  	_ =	shalt  }
0x55: {  	_ =	shalt  }
0x56: {  	_ =	shalt  }
0x57: {  	_ =	shalt  }
0x58: {  	_ =	shalt  }
0x59: {  	_ =	shalt  }
0x5a: {  	_ =	shalt  }
0x5b: {  	_ =	shalt  }
0x5c: {  	_ =	shalt  }
0x5d: {  	_ =	shalt  }
0x5e: {  	_ =	shalt  }
0x5f: {  	_ =	shalt  }
0x60: {  	_ =	shalt  }
0x61: {  	_ =	shalt  }
0x62: {  	_ =	shalt  }
0x63: {  	_ =	shalt  }
0x64: {  	_ =	shalt  }
0x65: {  	_ =	shalt  }
0x66: {  	_ =	shalt  }
0x67: {  	_ =	shalt  }
0x68: {  	_ =	shalt  }
0x69: {  	_ =	shalt  }
0x6a: {  	_ =	shalt  }
0x6b: {  	_ =	shalt  }
0x6c: {  	_ =	shalt  }
0x6d: {  	_ =	shalt  }
0x6e: {  	_ =	shalt  }
0x6f: {  	_ =	shalt  }
0x70: {  	_ =	shalt  }
0x71: {  	_ =	shalt  }
0x72: {  	_ =	shalt  }
0x73: {  	_ =	shalt  }
0x74: {  	_ =	shalt  }
0x75: {  	_ =	shalt  }
0x76: {  	_ =	shalt  }
0x77: {  	_ =	shalt  }
0x78: {  	_ =	shalt  }
0x79: {  	_ =	shalt  }
0x7a: {  	_ =	shalt  }
0x7b: {  	_ =	shalt  }
0x7c: {  	_ =	shalt  }
0x7d: {  	_ =	shalt  }
0x7e: {  	_ =	shalt  }
0x7f: {  	_ =	shalt  }
0x80: {  	_ =	shalt  }
0x81: {  	_ =	shalt  }
0x82: {  	_ =	shalt  }
0x83: {  	_ =	shalt  }
0x84: {  	_ =	shalt  }
0x85: {  	_ =	shalt  }
0x86: {  	_ =	shalt  }
0x87: {  	_ =	shalt  }
.Lfunc_end0:
.L_simem_size_0:
called_computation_lowered:
.L_overlay_start_0:
0x88: {  	s2 =	sld [smem:$0x3FD9]  }
0x89: {  	s3 =	sld [smem:$0x3FFE];
	_ =	sdelay $0x1  }
0x8a: {  	s1 =	srdreg.scid  }
0x8b: {  	s0 =	sand.u32 $0x1, s1  }
0x8c: {  	s18 =	sshll.u32 s0, $0xA;
	s2 =	sadd.s32 s3, s2  }
0x8d: {  	s2 =	sadd.s32 s2, s18  }
0x8e: {  	[smem:$0x3FC7] =	sst s2  }
0x8f: {  	_ = 	snop  }
0x90: {  	s2 =	sld [smem:$0x3FC9]  }
0x91: {  	s19 =	sld [smem:$0x3FD0];
	(tm) =	ssettm $0x1  }
0x92: {  	s4 =	sld [smem:$0x3FFB];
	_ =	sdelay $0x3  }
0x93: {  	_ =	strace s4  }
0x94: {  	s4 =	sld [smem:$0x3FFC];
	_ =	sdelay $0x3  }
0x95: {  	_ =	strace s4  }
0x96: {  	s4 =	sld [smem:$0x3FFD];
	_ =	sdelay $0x3  }
0x97: {  	_ =	strace s4  }
0x98: {  	_ =	strace $0x8FFFFFFF  }
0x99: {  	s20 =	sld [smem:$0x3FDB];
	_ =	sdelay $0x1  }
0x9a: {  	s5 =	simm.s32 $_scs_section_size  }
0x9b: {  	s6 =	simm.s32 $_size__tile_overlayer_lowered;
	s7 =	simm.s32 $_tile_overlayer_lowered  }
0x9c: {  	s23 =	simm.s32 $0x1BFF;
	s22 =	sshll.u32 s7, $0x1;
	s4 =	sadd.s32 s5, s20  }
0x9d: {  	s8 =	simm.s32 $0x0;
	s21 =	sshll.u32 s6, $0x1;
	s6 =	sadd.s32 s22, s4  }
0x9e: {  	[timem:s8], [sflag:s23] =	dma.local [hbm:s6], s21  }
0x9f: {  	_ =	swait.ge [sflag:s23], s21  }
0xa0: {  	s5 =	ssub.s32 $0x0, s21;
	[sflag:s23] =	ssyncset.done $0x0  }
0xa1: {  	[sflag:s23] =	ssyncadd.s32 s5;
	_ =	sdelay $0x1  }
0xa2: {  	s24 =	simm.s32 $0x1B8B  }
0xa3: {  	_ =	swait.ge [sflag:s24], $0x1  }
0xa4: {  	[sflag:s24] =	ssyncset.done $0x0  }
0xa5: {  	s25 =	simm.s32 $0x1B8E;
	[sflag:s24] =	ssyncadd.s32 $0xFFFFFFFF  }
0xa6: {  	s26 =	simm.s32 $execute0_lowered;
	[smem:$0x3FD2] =	sst s25  }
0xa7: {  	s5 =	sshll.u32 s26, $0x1;
	_ =	strace $0x80000046;
	[dreg:$0x1] =	wrdreg $0xFFFFFFFF  }
0xa8: {  	s28 =	simm.s32 $_size_execute0_lowered;
	s4 =	sadd.s32 s4, s5;
	[dreg:$0x0] =	wrdreg $0x0  }
0xa9: {  	s5 =	sshll.u32 s28, $0x1;
	[dreg:$0x2] =	wrdreg s4  }
0xaa: {  	[dreg:$0x3] =	wrdreg s5  }
0xab: {  	[dreg:$0x4] =	wrdreg $0xC0  }
0xac: {  	_ =	task [dreg:s8], $0x5FFFF  }
0xad: {  	[dreg:$0x1] =	wrdreg $0xFFFFFFFF  }
0xae: {  	[dreg:$0x0] =	wrdreg $0x60  }
0xaf: {  	[dreg:$0x2] =	wrdreg s2  }
0xb0: {  	[dreg:$0x3] =	wrdreg s19  }
0xb1: {  	[dreg:$0x4] =	wrdreg $0x9  }
0xb2: {  	_ =	task.clear_ibuf [dreg:s8], $0x5FFFF;
	_ =	strace $0x90000046  }
0xb3: {  	s29 =	simm.s32 $0x9;
	_ =	strace $0x80000048  }
0xb4: {  	_ =	swait.ge [sflag:s29], $0x1  }
0xb5: {  	[sflag:s29] =	ssyncadd.s32 $0xFFFFFFFF  }
0xb6: {  	_ =	strace $0x90000048  }
0xb7: {  	_ =	sfence  }
0xb8: {  	s30 =	sld [smem:$0x0];
	_ =	sdelay $0x2  }
0xb9: {  	s31 =	sshll.u32 s1, $0xD;
	s1 =	sshrl.u32 s1, $0x2  }
0xba: {  	s3 =	sand.u32 $0x4000, s31;
	s1 =	sadd.s32 s1, s30  }
0xbb: {  	s0 =	sor.u32 s3, s0;
	s1 =	sshll.u32 s1, $0x11  }
0xbc: {  	s0 =	sor.u32 s1, s0  }
0xbd: {  	s0 =	sadd.s32 $0x8F2B, s0  }
0xbe: {  	[sflag:s0] =	ssyncadd.remote.s32 $0x1  }
0xbf: {  	_ =	sfence.sel $0xFFFF  }
0xc0: {  	[dreg:$0x0] =	wrdreg $0xFFFFFFFF;
	(pc) =	sbr.abs _section_cstart, $3  }
0xc1: {  	[dreg:$0x1] =	wrdreg $0xFFFFFFFF  }
0xc2: {  	_ =	task.clear_ibuf [dreg:s8], $0x2FFFF;
	_ =	strace $0x9FFFFFFF  }
0xc3: {  	(tm) =	ssettm $0x7FFFFFFF  }
tec
execute0_lowered:
.L_overlay_start_1:
0x0: {  	(tag) =	ssettag $0x1  }
0x1: {  	s1 =	rddreg [dreg:$0x0]  }
0x2: {  	s0 =	srdreg.scid;
	s2 =	rddreg [dreg:$0x1]  }
0x3: {  	s3 =	simm.s32 $0x0;
	s7 =	simm.s32 $0x1;
	s8 =	simm.s32 $0x3  }
.Ltmp0:
0x4: {  	s9 =	simm.s32 $0x19000;
	s5 =	sand.u32 $0x1, s0;
	(pc) =	sbr.rel .LBB2_1-.Ltmp0, $4  }
0x5: {  	s10 =	simm.s32 $0x1C200;
	s11 =	simm.s32 $0x2;
	s4 =	ssub.s32 $0x2, s5  }
0x6: {  	s12 =	simm.s32 $0x0;
	[smem:$0x7FF] =	sst s3;
	s6 =	sshrl.u32 s4, $0x1  }
0x7: {  	s0 =	rddreg [dreg:$0x2];
	_ =	strace $0x80000047;
	s6 =	ssub.s32 s4, s6  }
0x8: {  	s5 =	sshll.u32 s5, $0x1;
	s4 =	stileid.u32;
	s6 =	smax.u32 s6, $0x1  }
.LBB2_39:
0x9: {  	s12 =	sadd.s32 $0x1, s12  }
0xa: {  	p0 =	sne.s32 s12, s6  }
.Ltmp1:
0xb: {  	_ = 	snop;
	(pc) =	sbr.rel @!p0 .LBB2_40-.Ltmp1, $1  }
0xc: {  	_ =	sdelay $0x3  }
.LBB2_1:
.Ltmp2:
0xd: {  	(pc) =	sbr.rel .LBB2_2-.Ltmp2, $2  }
0xe: {  	_ =	sdelay $0x2  }
0xf: {  	s13 =	simm.s32 $0x0  }
.LBB2_37:
0x10: {  	s15 =	sadd.s32 $0x10, s15  }
0x11: {  	s14 =	sadd.s32 $0xF4178, s14;
	[tilespmem:s15+$0x0] =	vst v0  }
0x12: {  	[hbm4b:s14+s3] =	stream.linear.scatter [tilespmem:s9], [sflag:$0x2], $0x600, $0x38;
	[tilespmem:$0x1F400] =	vst v63  }
0x13: {  	_ =	swait.ge [sflag:s11], $0x600  }
0x14: {  	[sflag:s11] =	ssyncset.done $0x0  }
0x15: {  	[sflag:s11] =	ssyncadd.s32 $0xFFFFFA00  }
.LBB2_38:
0x16: {  	s13 =	sadd.s32 $0x1, s13  }
0x17: {  	p0 =	sne.s32 s13, $0xA  }
.Ltmp3:
0x18: {  	_ = 	snop;
	(pc) =	sbr.rel @!p0 .LBB2_39-.Ltmp3, $1  }
0x19: {  	_ =	sdelay $0x3  }
.LBB2_2:
0x1a: {  	s14 =	sshll.u32 s13, $0x4  }
0x1b: {  	s14 =	sor.u32 s4, s14  }
0x1c: {  	p0 =	sgt.u32 s14, $0x9D  }
.Ltmp4:
0x1d: {  	_ = 	snop;
	(pc) =	sbr.rel @p0 .LBB2_38-.Ltmp4, $1  }
0x1e: {  	_ =	sdelay $0x3  }
0x1f: {  	s15 =	sadd.s32 $0xFFFFFFB1, s14  }
0x20: {  	p0 =	sgt.u32 s14, $0x4E;
	s16 =	simm.s32 $0x1;
	s15 =	smin.u32 s14, s15  }
0x21: {  	s16 =	simm.s32 @!p0 $0x0;
	p0 =	sgt.u32 s15, $0x4D  }
.Ltmp5:
0x22: {  	_ = 	snop;
	(pc) =	sbr.rel @p0 .LBB2_21-.Ltmp5, $3  }
0x23: {  	_ =	sdelay $0x1  }
0x24: {  	s14 =	sor.u32 s16, s5  }
0x25: {  	s16 =	smul.u32 $0x7A1400, s14  }
0x26: {  	s17 =	smul.u32 $0x19000, s15;
	_ =	sdelay $0x1  }
0x27: {  	s16 =	sadd.s32 s17, s16  }
0x28: {  	s16 =	sshrl.u32 s16, $0x3  }
0x29: {  	s28 =	simm.s32 $0x0;
	s16 =	sadd.s32 s1, s16  }
0x2a: {  	[tilespmem:s28], [sflag:$0x3] =	stream.linear.gather [hbm4b:s16+s28], $0x19000, $0x38;
	[tilespmem:$0x1F400] =	vst v63  }
0x2b: {  	s29 =	simm.s32 $0x0;
	_ =	swait.ge [sflag:s8], $0x19000  }
0x2c: {  	s18 =	sand.u32 $0x40, s28;
	s19 =	sand.u32 $0x1FC00, s29;
	[sflag:s8] =	ssyncset.done $0x0  }
0x2d: {  	s16 =	sor.u32 s18, s19;
	[sflag:s8] =	ssyncadd.s32 $0xFFFE7000  }
0x2e: {  	v0 =	vld [tilespmem:s16+$0x0];
	_ =	sdelay $0x3  }
0x2f: {  	s20 =	sor.u32 $0x10, s18;
	s16 =	simm.s32 $0x19000  }
0x30: {  	s21 =	sor.u32 s20, s19;
	[tilespmem:s16+$0x0] =	vst v0  }
0x31: {  	v0 =	vld [tilespmem:s21+$0x0];
	_ =	sdelay $0x1  }
0x32: {  	s17 =	sand.u32 $0x3F80, s28  }
0x33: {  	s21 =	sadd.s32 $0x19000, s17  }
0x34: {  	s30 =	sor.u32 $0x20, s18;
	s17 =	sor.u32 s20, s21  }
0x35: {  	s31 =	sor.u32 s30, s19;
	[tilespmem:s17+$0x0] =	vst v0  }
0x36: {  	v0 =	vld [tilespmem:s31+$0x0];
	_ =	sdelay $0x3  }
0x37: {  	s22 =	sor.u32 $0x30, s18;
	s20 =	sor.u32 s30, s21  }
0x38: {  	s18 =	sor.u32 s22, s19;
	[tilespmem:s20+$0x0] =	vst v0  }
0x39: {  	v0 =	vld [tilespmem:s18+$0x0];
	_ =	sdelay $0x1  }
0x3a: {  	s23 =	simm.s32 $0x200;
	s17 =	simm.s32 $0x40  }
0x3b: {  	s19 =	simm.s32 $0x800;
	s20 =	simm.s32 $0x80;
	s18 =	sand.u32 $0x40, s17  }
.LBB2_5:
0x3c: {  	p0 =	sne.s32 s20, $0x31C0;
	s23 =	sand.u32 $0x1FC00, s23;
	s21 =	sor.u32 s22, s21  }
0x3d: {  	s22 =	sor.u32 s18, s23;
	[tilespmem:s21+$0x0] =	vst v0  }
0x3e: {  	v0 =	vld [tilespmem:s22+$0x0];
	_ =	sdelay $0x3  }
0x3f: {  	s16 =	sadd.s32 $0x40, s16;
	s22 =	sor.u32 $0x10, s18  }
0x40: {  	s21 =	sor.u32 s22, s23;
	[tilespmem:s16+$0x0] =	vst v0  }
0x41: {  	v0 =	vld [tilespmem:s21+$0x0];
	_ =	sdelay $0x1  }
0x42: {  	s21 =	sand.u32 $0x3F80, s17;
	s17 =	smov.u32 s20  }
0x43: {  	s21 =	sadd.s32 $0x19000, s21  }
0x44: {  	s24 =	sor.u32 $0x20, s18;
	s22 =	sor.u32 s22, s21  }
0x45: {  	[tilespmem:s22+$0x0] =	vst v0;
	s22 =	sor.u32 s24, s23  }
0x46: {  	v0 =	vld [tilespmem:s22+$0x0];
	_ =	sdelay $0x3  }
0x47: {  	s24 =	sor.u32 s24, s21;
	s22 =	sor.u32 $0x30, s18  }
.Ltmp6:
0x48: {  	s18 =	sor.u32 s22, s23;
	[tilespmem:s24+$0x0] =	vst v0;
	(pc) =	sbr.rel @p0 .LBB2_5-.Ltmp6, $3  }
0x49: {  	v0 =	vld [tilespmem:s18+$0x0];
	_ =	sdelay $0x1  }
0x4a: {  	s19 =	sadd.s32 $0x800, s19  }
0x4b: {  	s20 =	sadd.s32 $0x40, s20;
	s23 =	sshrl.u32 s19, $0x2;
	s18 =	sand.u32 $0x40, s17  }
0x4c: {  	s19 =	sand.u32 $0x1FC00, s23;
	s20 =	sor.u32 s22, s21  }
0x4d: {  	s22 =	sor.u32 s18, s19;
	[tilespmem:s20+$0x0] =	vst v0  }
0x4e: {  	v0 =	vld [tilespmem:s22+$0x0];
	_ =	sdelay $0x3  }
0x4f: {  	s23 =	sor.u32 $0x10, s18;
	s16 =	sadd.s32 $0x40, s16  }
0x50: {  	s24 =	sor.u32 s23, s19;
	[tilespmem:s16+$0x0] =	vst v0  }
0x51: {  	v0 =	vld [tilespmem:s24+$0x0];
	_ =	sdelay $0x1  }
0x52: {  	s25 =	sand.u32 $0x3F80, s17  }
0x53: {  	s16 =	sadd.s32 $0x19000, s25  }
0x54: {  	s28 =	sor.u32 $0x20, s18;
	s26 =	sor.u32 s23, s16  }
0x55: {  	s29 =	sor.u32 s28, s19;
	[tilespmem:s26+$0x0] =	vst v0  }
0x56: {  	v0 =	vld [tilespmem:s29+$0x0];
	_ =	sdelay $0x3  }
0x57: {  	s31 =	sor.u32 $0x30, s18;
	s30 =	sor.u32 s28, s16  }
0x58: {  	s15 =	smul.u32 $0x3200, s15;
	s20 =	sor.u32 s31, s19;
	[tilespmem:s30+$0x0] =	vst v0  }
0x59: {  	s14 =	smul.u32 $0x7A1200, s14;
	v0 =	vld [tilespmem:s20+$0x0];
	_ =	sdelay $0x1  }
0x5a: {  	s21 =	sadd.s32 s15, s14  }
0x5b: {  	s17 =	sshrl.u32 s21, $0x3;
	s23 =	simm.s32 $0x0;
	s24 =	simm.s32 $0x0  }
0x5c: {  	s16 =	sor.u32 s31, s16;
	s25 =	sand.u32 $0x40, s23;
	s26 =	sand.u32 $0x1FC00, s24  }
0x5d: {  	s22 =	sadd.s32 s2, s17;
	[tilespmem:s16+$0x0] =	vst v0;
	s16 =	sor.u32 s25, s26  }
0x5e: {  	[hbm4b:s22+s23] =	stream.linear.scatter [tilespmem:s9], [sflag:$0x1], $0x3200, $0x38;
	[tilespmem:$0x1F400] =	vst v63  }
0x5f: {  	v0 =	vld [tilespmem:s16+$0x80];
	_ =	sdelay $0x3  }
0x60: {  	s28 =	sor.u32 $0x10, s25;
	s16 =	simm.s32 $0x1C200  }
0x61: {  	s29 =	sor.u32 s28, s26;
	[tilespmem:s16+$0x0] =	vst v0  }
0x62: {  	v0 =	vld [tilespmem:s29+$0x80];
	_ =	sdelay $0x1  }
0x63: {  	s17 =	sand.u32 $0x3F80, s23  }
0x64: {  	s21 =	sadd.s32 $0x1C200, s17  }
0x65: {  	s17 =	sor.u32 s28, s21;
	s30 =	sor.u32 $0x20, s25  }
0x66: {  	s31 =	sor.u32 s30, s26;
	[tilespmem:s17+$0x0] =	vst v0  }
0x67: {  	v0 =	vld [tilespmem:s31+$0x80];
	_ =	sdelay $0x3  }
0x68: {  	s20 =	sor.u32 s30, s21;
	s22 =	sor.u32 $0x30, s25  }
0x69: {  	s18 =	sor.u32 s22, s26;
	[tilespmem:s20+$0x0] =	vst v0  }
0x6a: {  	v0 =	vld [tilespmem:s18+$0x80];
	_ =	sdelay $0x1  }
0x6b: {  	s19 =	simm.s32 $0x800;
	s17 =	simm.s32 $0x40  }
0x6c: {  	s23 =	simm.s32 $0x200;
	s20 =	simm.s32 $0x80;
	s18 =	sand.u32 $0x40, s17  }
.LBB2_7:
0x6d: {  	p0 =	sne.s32 s20, $0x31C0;
	s23 =	sand.u32 $0x1FC00, s23;
	s21 =	sor.u32 s22, s21  }
0x6e: {  	s22 =	sor.u32 s18, s23;
	[tilespmem:s21+$0x0] =	vst v0  }
0x6f: {  	v0 =	vld [tilespmem:s22+$0x80];
	_ =	sdelay $0x3  }
0x70: {  	s16 =	sadd.s32 $0x40, s16;
	s22 =	sor.u32 $0x10, s18  }
0x71: {  	s21 =	sor.u32 s22, s23;
	[tilespmem:s16+$0x0] =	vst v0  }
0x72: {  	v0 =	vld [tilespmem:s21+$0x80];
	_ =	sdelay $0x1  }
0x73: {  	s21 =	sand.u32 $0x3F80, s17;
	s17 =	smov.u32 s20  }
0x74: {  	s21 =	sadd.s32 $0x1C200, s21  }
0x75: {  	s24 =	sor.u32 $0x20, s18;
	s22 =	sor.u32 s22, s21  }
0x76: {  	[tilespmem:s22+$0x0] =	vst v0;
	s22 =	sor.u32 s24, s23  }
0x77: {  	v0 =	vld [tilespmem:s22+$0x80];
	_ =	sdelay $0x3  }
0x78: {  	s24 =	sor.u32 s24, s21;
	s22 =	sor.u32 $0x30, s18  }
.Ltmp7:
0x79: {  	s18 =	sor.u32 s22, s23;
	[tilespmem:s24+$0x0] =	vst v0;
	(pc) =	sbr.rel @p0 .LBB2_7-.Ltmp7, $3  }
0x7a: {  	v0 =	vld [tilespmem:s18+$0x80];
	_ =	sdelay $0x1  }
0x7b: {  	s19 =	sadd.s32 $0x800, s19  }
0x7c: {  	s20 =	sadd.s32 $0x40, s20;
	s23 =	sshrl.u32 s19, $0x2;
	s18 =	sand.u32 $0x40, s17  }
0x7d: {  	s19 =	sand.u32 $0x1FC00, s23;
	s20 =	sor.u32 s22, s21  }
0x7e: {  	s22 =	sor.u32 s18, s19;
	[tilespmem:s20+$0x0] =	vst v0  }
0x7f: {  	v0 =	vld [tilespmem:s22+$0x80];
	_ =	sdelay $0x3  }
0x80: {  	s23 =	sor.u32 $0x10, s18;
	s16 =	sadd.s32 $0x40, s16  }
0x81: {  	s24 =	sor.u32 s23, s19;
	[tilespmem:s16+$0x0] =	vst v0  }
0x82: {  	v0 =	vld [tilespmem:s24+$0x80];
	_ =	sdelay $0x1  }
0x83: {  	s25 =	sand.u32 $0x3F80, s17  }
0x84: {  	s16 =	sadd.s32 $0x1C200, s25  }
0x85: {  	s28 =	sor.u32 $0x20, s18;
	s26 =	sor.u32 s23, s16  }
0x86: {  	s29 =	sor.u32 s28, s19;
	[tilespmem:s26+$0x0] =	vst v0  }
0x87: {  	v0 =	vld [tilespmem:s29+$0x80];
	_ =	sdelay $0x3  }
0x88: {  	s31 =	sor.u32 $0x30, s18;
	s30 =	sor.u32 s28, s16  }
0x89: {  	s20 =	sor.u32 s31, s19;
	[tilespmem:s30+$0x0] =	vst v0  }
0x8a: {  	v0 =	vld [tilespmem:s20+$0x80];
	_ =	sdelay $0x1  }
0x8b: {  	s14 =	sadd.s32 s14, s15  }
0x8c: {  	s14 =	sshrl.u32 s14, $0x3  }
0x8d: {  	s14 =	sadd.s32 s2, s14;
	s21 =	sor.u32 s31, s16  }
0x8e: {  	s22 =	sadd.s32 $0x1E848, s14;
	s23 =	simm.s32 $0x0;
	[tilespmem:s21+$0x0] =	vst v0  }
0x8f: {  	[hbm4b:s22+s23] =	stream.linear.scatter [tilespmem:s10], [sflag:$0x1], $0x3200, $0x38;
	[tilespmem:$0x1F400] =	vst v63  }
0x90: {  	s24 =	simm.s32 $0x0;
	_ =	swait.ge [sflag:s7], $0x3200  }
0x91: {  	s25 =	sand.u32 $0x40, s23;
	s26 =	sand.u32 $0x1FC00, s24;
	[sflag:s7] =	ssyncset.done $0x0  }
0x92: {  	s15 =	sor.u32 s25, s26;
	[sflag:s7] =	ssyncadd.s32 $0xFFFFCE00  }
0x93: {  	v0 =	vld [tilespmem:s15+$0x100];
	_ =	sdelay $0x3  }
0x94: {  	s28 =	sor.u32 $0x10, s25;
	s15 =	simm.s32 $0x19000  }
0x95: {  	s29 =	sor.u32 s28, s26;
	[tilespmem:s15+$0x0] =	vst v0  }
0x96: {  	v0 =	vld [tilespmem:s29+$0x100];
	_ =	sdelay $0x1  }
0x97: {  	s16 =	sand.u32 $0x3F80, s23  }
0x98: {  	s20 =	sadd.s32 $0x19000, s16  }
0x99: {  	s30 =	sor.u32 $0x20, s25;
	s16 =	sor.u32 s28, s20  }
0x9a: {  	s31 =	sor.u32 s30, s26;
	[tilespmem:s16+$0x0] =	vst v0  }
0x9b: {  	v0 =	vld [tilespmem:s31+$0x100];
	_ =	sdelay $0x3  }
0x9c: {  	s19 =	sor.u32 s30, s20;
	s21 =	sor.u32 $0x30, s25  }
0x9d: {  	s17 =	sor.u32 s21, s26;
	[tilespmem:s19+$0x0] =	vst v0  }
0x9e: {  	v0 =	vld [tilespmem:s17+$0x100];
	_ =	sdelay $0x1  }
0x9f: {  	s18 =	simm.s32 $0x800;
	s16 =	simm.s32 $0x40  }
0xa0: {  	s22 =	simm.s32 $0x200;
	s19 =	simm.s32 $0x80;
	s17 =	sand.u32 $0x40, s16  }
.LBB2_9:
0xa1: {  	p0 =	sne.s32 s19, $0x31C0;
	s22 =	sand.u32 $0x1FC00, s22;
	s20 =	sor.u32 s21, s20  }
0xa2: {  	s21 =	sor.u32 s17, s22;
	[tilespmem:s20+$0x0] =	vst v0  }
0xa3: {  	v0 =	vld [tilespmem:s21+$0x100];
	_ =	sdelay $0x3  }
0xa4: {  	s15 =	sadd.s32 $0x40, s15;
	s21 =	sor.u32 $0x10, s17  }
0xa5: {  	s20 =	sor.u32 s21, s22;
	[tilespmem:s15+$0x0] =	vst v0  }
0xa6: {  	v0 =	vld [tilespmem:s20+$0x100];
	_ =	sdelay $0x1  }
0xa7: {  	s20 =	sand.u32 $0x3F80, s16;
	s16 =	smov.u32 s19  }
0xa8: {  	s20 =	sadd.s32 $0x19000, s20  }
0xa9: {  	s23 =	sor.u32 $0x20, s17;
	s21 =	sor.u32 s21, s20  }
0xaa: {  	[tilespmem:s21+$0x0] =	vst v0;
	s21 =	sor.u32 s23, s22  }
0xab: {  	v0 =	vld [tilespmem:s21+$0x100];
	_ =	sdelay $0x3  }
0xac: {  	s23 =	sor.u32 s23, s20;
	s21 =	sor.u32 $0x30, s17  }
.Ltmp8:
0xad: {  	s17 =	sor.u32 s21, s22;
	[tilespmem:s23+$0x0] =	vst v0;
	(pc) =	sbr.rel @p0 .LBB2_9-.Ltmp8, $3  }
0xae: {  	v0 =	vld [tilespmem:s17+$0x100];
	_ =	sdelay $0x1  }
0xaf: {  	s18 =	sadd.s32 $0x800, s18  }
0xb0: {  	s19 =	sadd.s32 $0x40, s19;
	s22 =	sshrl.u32 s18, $0x2;
	s17 =	sand.u32 $0x40, s16  }
0xb1: {  	s18 =	sand.u32 $0x1FC00, s22;
	s19 =	sor.u32 s21, s20  }
0xb2: {  	s24 =	sor.u32 s17, s18;
	[tilespmem:s19+$0x0] =	vst v0  }
0xb3: {  	v0 =	vld [tilespmem:s24+$0x100];
	_ =	sdelay $0x3  }
0xb4: {  	s25 =	sor.u32 $0x10, s17;
	s15 =	sadd.s32 $0x40, s15  }
0xb5: {  	s26 =	sor.u32 s25, s18;
	[tilespmem:s15+$0x0] =	vst v0  }
0xb6: {  	v0 =	vld [tilespmem:s26+$0x100];
	_ =	sdelay $0x1  }
0xb7: {  	s28 =	sand.u32 $0x3F80, s16  }
0xb8: {  	s15 =	sadd.s32 $0x19000, s28  }
0xb9: {  	s30 =	sor.u32 $0x20, s17;
	s29 =	sor.u32 s25, s15  }
0xba: {  	s31 =	sor.u32 s30, s18;
	[tilespmem:s29+$0x0] =	vst v0  }
0xbb: {  	v0 =	vld [tilespmem:s31+$0x100];
	_ =	sdelay $0x3  }
0xbc: {  	s20 =	sor.u32 $0x30, s17;
	s19 =	sor.u32 s30, s15  }
0xbd: {  	s21 =	sor.u32 s20, s18;
	[tilespmem:s19+$0x0] =	vst v0  }
0xbe: {  	v0 =	vld [tilespmem:s21+$0x100];
	_ =	sdelay $0x3  }
0xbf: {  	s15 =	sor.u32 s20, s15  }
0xc0: {  	s22 =	sadd.s32 $0x3D090, s14;
	s23 =	simm.s32 $0x0;
	[tilespmem:s15+$0x0] =	vst v0  }
0xc1: {  	[hbm4b:s22+s23] =	stream.linear.scatter [tilespmem:s9], [sflag:$0x1], $0x3200, $0x38;
	[tilespmem:$0x1F400] =	vst v63  }
0xc2: {  	s24 =	simm.s32 $0x0;
	_ =	swait.ge [sflag:s7], $0x3200  }
0xc3: {  	s25 =	sand.u32 $0x40, s23;
	s26 =	sand.u32 $0x1FC00, s24;
	[sflag:s7] =	ssyncset.done $0x0  }
0xc4: {  	s15 =	sor.u32 s25, s26;
	[sflag:s7] =	ssyncadd.s32 $0xFFFFCE00  }
0xc5: {  	v0 =	vld [tilespmem:s15+$0x180];
	_ =	sdelay $0x3  }
0xc6: {  	s28 =	sor.u32 $0x10, s25;
	s15 =	simm.s32 $0x1C200  }
0xc7: {  	s29 =	sor.u32 s28, s26;
	[tilespmem:s15+$0x0] =	vst v0  }
0xc8: {  	v0 =	vld [tilespmem:s29+$0x180];
	_ =	sdelay $0x1  }
0xc9: {  	s16 =	sand.u32 $0x3F80, s23  }
0xca: {  	s20 =	sadd.s32 $0x1C200, s16  }
0xcb: {  	s30 =	sor.u32 $0x20, s25;
	s16 =	sor.u32 s28, s20  }
0xcc: {  	s31 =	sor.u32 s30, s26;
	[tilespmem:s16+$0x0] =	vst v0  }
0xcd: {  	v0 =	vld [tilespmem:s31+$0x180];
	_ =	sdelay $0x3  }
0xce: {  	s19 =	sor.u32 s30, s20;
	s21 =	sor.u32 $0x30, s25  }
0xcf: {  	s17 =	sor.u32 s21, s26;
	[tilespmem:s19+$0x0] =	vst v0  }
0xd0: {  	v0 =	vld [tilespmem:s17+$0x180];
	_ =	sdelay $0x1  }
0xd1: {  	s18 =	simm.s32 $0x800;
	s16 =	simm.s32 $0x40  }
0xd2: {  	s22 =	simm.s32 $0x200;
	s19 =	simm.s32 $0x80;
	s17 =	sand.u32 $0x40, s16  }
.LBB2_11:
0xd3: {  	p0 =	sne.s32 s19, $0x31C0;
	s22 =	sand.u32 $0x1FC00, s22;
	s20 =	sor.u32 s21, s20  }
0xd4: {  	s21 =	sor.u32 s17, s22;
	[tilespmem:s20+$0x0] =	vst v0  }
0xd5: {  	v0 =	vld [tilespmem:s21+$0x180];
	_ =	sdelay $0x3  }
0xd6: {  	s15 =	sadd.s32 $0x40, s15;
	s21 =	sor.u32 $0x10, s17  }
0xd7: {  	s20 =	sor.u32 s21, s22;
	[tilespmem:s15+$0x0] =	vst v0  }
0xd8: {  	v0 =	vld [tilespmem:s20+$0x180];
	_ =	sdelay $0x1  }
0xd9: {  	s20 =	sand.u32 $0x3F80, s16;
	s16 =	smov.u32 s19  }
0xda: {  	s20 =	sadd.s32 $0x1C200, s20  }
0xdb: {  	s23 =	sor.u32 $0x20, s17;
	s21 =	sor.u32 s21, s20  }
0xdc: {  	[tilespmem:s21+$0x0] =	vst v0;
	s21 =	sor.u32 s23, s22  }
0xdd: {  	v0 =	vld [tilespmem:s21+$0x180];
	_ =	sdelay $0x3  }
0xde: {  	s23 =	sor.u32 s23, s20;
	s21 =	sor.u32 $0x30, s17  }
.Ltmp9:
0xdf: {  	s17 =	sor.u32 s21, s22;
	[tilespmem:s23+$0x0] =	vst v0;
	(pc) =	sbr.rel @p0 .LBB2_11-.Ltmp9, $3  }
0xe0: {  	v0 =	vld [tilespmem:s17+$0x180];
	_ =	sdelay $0x1  }
0xe1: {  	s18 =	sadd.s32 $0x800, s18  }
0xe2: {  	s19 =	sadd.s32 $0x40, s19;
	s22 =	sshrl.u32 s18, $0x2;
	s17 =	sand.u32 $0x40, s16  }
0xe3: {  	s18 =	sand.u32 $0x1FC00, s22;
	s19 =	sor.u32 s21, s20  }
0xe4: {  	s24 =	sor.u32 s17, s18;
	[tilespmem:s19+$0x0] =	vst v0  }
0xe5: {  	v0 =	vld [tilespmem:s24+$0x180];
	_ =	sdelay $0x3  }
0xe6: {  	s25 =	sor.u32 $0x10, s17;
	s15 =	sadd.s32 $0x40, s15  }
0xe7: {  	s26 =	sor.u32 s25, s18;
	[tilespmem:s15+$0x0] =	vst v0  }
0xe8: {  	v0 =	vld [tilespmem:s26+$0x180];
	_ =	sdelay $0x1  }
0xe9: {  	s28 =	sand.u32 $0x3F80, s16  }
0xea: {  	s15 =	sadd.s32 $0x1C200, s28  }
0xeb: {  	s30 =	sor.u32 $0x20, s17;
	s29 =	sor.u32 s25, s15  }
0xec: {  	s31 =	sor.u32 s30, s18;
	[tilespmem:s29+$0x0] =	vst v0  }
0xed: {  	v0 =	vld [tilespmem:s31+$0x180];
	_ =	sdelay $0x3  }
0xee: {  	s20 =	sor.u32 $0x30, s17;
	s19 =	sor.u32 s30, s15  }
0xef: {  	s21 =	sor.u32 s20, s18;
	[tilespmem:s19+$0x0] =	vst v0  }
0xf0: {  	v0 =	vld [tilespmem:s21+$0x180];
	_ =	sdelay $0x3  }
0xf1: {  	s15 =	sor.u32 s20, s15  }
0xf2: {  	s22 =	sadd.s32 $0x5B8D8, s14;
	s23 =	simm.s32 $0x0;
	[tilespmem:s15+$0x0] =	vst v0  }
0xf3: {  	[hbm4b:s22+s23] =	stream.linear.scatter [tilespmem:s10], [sflag:$0x1], $0x3200, $0x38;
	[tilespmem:$0x1F400] =	vst v63  }
0xf4: {  	s24 =	simm.s32 $0x0;
	_ =	swait.ge [sflag:s7], $0x3200  }
0xf5: {  	s25 =	sand.u32 $0x40, s23;
	s26 =	sand.u32 $0x1FC00, s24;
	[sflag:s7] =	ssyncset.done $0x0  }
0xf6: {  	s15 =	sor.u32 s25, s26;
	[sflag:s7] =	ssyncadd.s32 $0xFFFFCE00  }
0xf7: {  	v0 =	vld [tilespmem:s15+$0x200];
	_ =	sdelay $0x3  }
0xf8: {  	s28 =	sor.u32 $0x10, s25;
	s15 =	simm.s32 $0x19000  }
0xf9: {  	s29 =	sor.u32 s28, s26;
	[tilespmem:s15+$0x0] =	vst v0  }
0xfa: {  	v0 =	vld [tilespmem:s29+$0x200];
	_ =	sdelay $0x1  }
0xfb: {  	s16 =	sand.u32 $0x3F80, s23  }
0xfc: {  	s20 =	sadd.s32 $0x19000, s16  }
0xfd: {  	s30 =	sor.u32 $0x20, s25;
	s16 =	sor.u32 s28, s20  }
0xfe: {  	s31 =	sor.u32 s30, s26;
	[tilespmem:s16+$0x0] =	vst v0  }
0xff: {  	v0 =	vld [tilespmem:s31+$0x200];
	_ =	sdelay $0x3  }
0x100: {  	s19 =	sor.u32 s30, s20;
	s21 =	sor.u32 $0x30, s25  }
0x101: {  	s17 =	sor.u32 s21, s26;
	[tilespmem:s19+$0x0] =	vst v0  }
0x102: {  	v0 =	vld [tilespmem:s17+$0x200];
	_ =	sdelay $0x1  }
0x103: {  	s18 =	simm.s32 $0x800;
	s16 =	simm.s32 $0x40  }
0x104: {  	s22 =	simm.s32 $0x200;
	s19 =	simm.s32 $0x80;
	s17 =	sand.u32 $0x40, s16  }
.LBB2_13:
0x105: {  	p0 =	sne.s32 s19, $0x31C0;
	s22 =	sand.u32 $0x1FC00, s22;
	s20 =	sor.u32 s21, s20  }
0x106: {  	s21 =	sor.u32 s17, s22;
	[tilespmem:s20+$0x0] =	vst v0  }
0x107: {  	v0 =	vld [tilespmem:s21+$0x200];
	_ =	sdelay $0x3  }
0x108: {  	s15 =	sadd.s32 $0x40, s15;
	s21 =	sor.u32 $0x10, s17  }
0x109: {  	s20 =	sor.u32 s21, s22;
	[tilespmem:s15+$0x0] =	vst v0  }
0x10a: {  	v0 =	vld [tilespmem:s20+$0x200];
	_ =	sdelay $0x1  }
0x10b: {  	s20 =	sand.u32 $0x3F80, s16;
	s16 =	smov.u32 s19  }
0x10c: {  	s20 =	sadd.s32 $0x19000, s20  }
0x10d: {  	s23 =	sor.u32 $0x20, s17;
	s21 =	sor.u32 s21, s20  }
0x10e: {  	[tilespmem:s21+$0x0] =	vst v0;
	s21 =	sor.u32 s23, s22  }
0x10f: {  	v0 =	vld [tilespmem:s21+$0x200];
	_ =	sdelay $0x3  }
0x110: {  	s23 =	sor.u32 s23, s20;
	s21 =	sor.u32 $0x30, s17  }
.Ltmp10:
0x111: {  	s17 =	sor.u32 s21, s22;
	[tilespmem:s23+$0x0] =	vst v0;
	(pc) =	sbr.rel @p0 .LBB2_13-.Ltmp10, $3  }
0x112: {  	v0 =	vld [tilespmem:s17+$0x200];
	_ =	sdelay $0x1  }
0x113: {  	s18 =	sadd.s32 $0x800, s18  }
0x114: {  	s19 =	sadd.s32 $0x40, s19;
	s22 =	sshrl.u32 s18, $0x2;
	s17 =	sand.u32 $0x40, s16  }
0x115: {  	s18 =	sand.u32 $0x1FC00, s22;
	s19 =	sor.u32 s21, s20  }
0x116: {  	s24 =	sor.u32 s17, s18;
	[tilespmem:s19+$0x0] =	vst v0  }
0x117: {  	v0 =	vld [tilespmem:s24+$0x200];
	_ =	sdelay $0x3  }
0x118: {  	s25 =	sor.u32 $0x10, s17;
	s15 =	sadd.s32 $0x40, s15  }
0x119: {  	s26 =	sor.u32 s25, s18;
	[tilespmem:s15+$0x0] =	vst v0  }
0x11a: {  	v0 =	vld [tilespmem:s26+$0x200];
	_ =	sdelay $0x1  }
0x11b: {  	s28 =	sand.u32 $0x3F80, s16  }
0x11c: {  	s15 =	sadd.s32 $0x19000, s28  }
0x11d: {  	s30 =	sor.u32 $0x20, s17;
	s29 =	sor.u32 s25, s15  }
0x11e: {  	s31 =	sor.u32 s30, s18;
	[tilespmem:s29+$0x0] =	vst v0  }
0x11f: {  	v0 =	vld [tilespmem:s31+$0x200];
	_ =	sdelay $0x3  }
0x120: {  	s20 =	sor.u32 $0x30, s17;
	s19 =	sor.u32 s30, s15  }
0x121: {  	s21 =	sor.u32 s20, s18;
	[tilespmem:s19+$0x0] =	vst v0  }
0x122: {  	v0 =	vld [tilespmem:s21+$0x200];
	_ =	sdelay $0x3  }
0x123: {  	s15 =	sor.u32 s20, s15  }
0x124: {  	s22 =	sadd.s32 $0x7A120, s14;
	s23 =	simm.s32 $0x0;
	[tilespmem:s15+$0x0] =	vst v0  }
0x125: {  	[hbm4b:s22+s23] =	stream.linear.scatter [tilespmem:s9], [sflag:$0x1], $0x3200, $0x38;
	[tilespmem:$0x1F400] =	vst v63  }
0x126: {  	s24 =	simm.s32 $0x0;
	_ =	swait.ge [sflag:s7], $0x3200  }
0x127: {  	s25 =	sand.u32 $0x40, s23;
	s26 =	sand.u32 $0x1FC00, s24;
	[sflag:s7] =	ssyncset.done $0x0  }
0x128: {  	s15 =	sor.u32 s25, s26;
	[sflag:s7] =	ssyncadd.s32 $0xFFFFCE00  }
0x129: {  	v0 =	vld [tilespmem:s15+$0x280];
	_ =	sdelay $0x3  }
0x12a: {  	s28 =	sor.u32 $0x10, s25;
	s15 =	simm.s32 $0x1C200  }
0x12b: {  	s29 =	sor.u32 s28, s26;
	[tilespmem:s15+$0x0] =	vst v0  }
0x12c: {  	v0 =	vld [tilespmem:s29+$0x280];
	_ =	sdelay $0x1  }
0x12d: {  	s16 =	sand.u32 $0x3F80, s23  }
0x12e: {  	s20 =	sadd.s32 $0x1C200, s16  }
0x12f: {  	s30 =	sor.u32 $0x20, s25;
	s16 =	sor.u32 s28, s20  }
0x130: {  	s31 =	sor.u32 s30, s26;
	[tilespmem:s16+$0x0] =	vst v0  }
0x131: {  	v0 =	vld [tilespmem:s31+$0x280];
	_ =	sdelay $0x3  }
0x132: {  	s19 =	sor.u32 s30, s20;
	s21 =	sor.u32 $0x30, s25  }
0x133: {  	s17 =	sor.u32 s21, s26;
	[tilespmem:s19+$0x0] =	vst v0  }
0x134: {  	v0 =	vld [tilespmem:s17+$0x280];
	_ =	sdelay $0x1  }
0x135: {  	s18 =	simm.s32 $0x800;
	s16 =	simm.s32 $0x40  }
0x136: {  	s22 =	simm.s32 $0x200;
	s19 =	simm.s32 $0x80;
	s17 =	sand.u32 $0x40, s16  }
.LBB2_15:
0x137: {  	p0 =	sne.s32 s19, $0x31C0;
	s22 =	sand.u32 $0x1FC00, s22;
	s20 =	sor.u32 s21, s20  }
0x138: {  	s21 =	sor.u32 s17, s22;
	[tilespmem:s20+$0x0] =	vst v0  }
0x139: {  	v0 =	vld [tilespmem:s21+$0x280];
	_ =	sdelay $0x3  }
0x13a: {  	s15 =	sadd.s32 $0x40, s15;
	s21 =	sor.u32 $0x10, s17  }
0x13b: {  	s20 =	sor.u32 s21, s22;
	[tilespmem:s15+$0x0] =	vst v0  }
0x13c: {  	v0 =	vld [tilespmem:s20+$0x280];
	_ =	sdelay $0x1  }
0x13d: {  	s20 =	sand.u32 $0x3F80, s16;
	s16 =	smov.u32 s19  }
0x13e: {  	s20 =	sadd.s32 $0x1C200, s20  }
0x13f: {  	s23 =	sor.u32 $0x20, s17;
	s21 =	sor.u32 s21, s20  }
0x140: {  	[tilespmem:s21+$0x0] =	vst v0;
	s21 =	sor.u32 s23, s22  }
0x141: {  	v0 =	vld [tilespmem:s21+$0x280];
	_ =	sdelay $0x3  }
0x142: {  	s23 =	sor.u32 s23, s20;
	s21 =	sor.u32 $0x30, s17  }
.Ltmp11:
0x143: {  	s17 =	sor.u32 s21, s22;
	[tilespmem:s23+$0x0] =	vst v0;
	(pc) =	sbr.rel @p0 .LBB2_15-.Ltmp11, $3  }
0x144: {  	v0 =	vld [tilespmem:s17+$0x280];
	_ =	sdelay $0x1  }
0x145: {  	s18 =	sadd.s32 $0x800, s18  }
0x146: {  	s19 =	sadd.s32 $0x40, s19;
	s22 =	sshrl.u32 s18, $0x2;
	s17 =	sand.u32 $0x40, s16  }
0x147: {  	s18 =	sand.u32 $0x1FC00, s22;
	s19 =	sor.u32 s21, s20  }
0x148: {  	s24 =	sor.u32 s17, s18;
	[tilespmem:s19+$0x0] =	vst v0  }
0x149: {  	v0 =	vld [tilespmem:s24+$0x280];
	_ =	sdelay $0x3  }
0x14a: {  	s25 =	sor.u32 $0x10, s17;
	s15 =	sadd.s32 $0x40, s15  }
0x14b: {  	s26 =	sor.u32 s25, s18;
	[tilespmem:s15+$0x0] =	vst v0  }
0x14c: {  	v0 =	vld [tilespmem:s26+$0x280];
	_ =	sdelay $0x1  }
0x14d: {  	s28 =	sand.u32 $0x3F80, s16  }
0x14e: {  	s15 =	sadd.s32 $0x1C200, s28  }
0x14f: {  	s30 =	sor.u32 $0x20, s17;
	s29 =	sor.u32 s25, s15  }
0x150: {  	s31 =	sor.u32 s30, s18;
	[tilespmem:s29+$0x0] =	vst v0  }
0x151: {  	v0 =	vld [tilespmem:s31+$0x280];
	_ =	sdelay $0x3  }
0x152: {  	s20 =	sor.u32 $0x30, s17;
	s19 =	sor.u32 s30, s15  }
0x153: {  	s21 =	sor.u32 s20, s18;
	[tilespmem:s19+$0x0] =	vst v0  }
0x154: {  	v0 =	vld [tilespmem:s21+$0x280];
	_ =	sdelay $0x3  }
0x155: {  	s15 =	sor.u32 s20, s15  }
0x156: {  	s22 =	sadd.s32 $0x98968, s14;
	s23 =	simm.s32 $0x0;
	[tilespmem:s15+$0x0] =	vst v0  }
0x157: {  	[hbm4b:s22+s23] =	stream.linear.scatter [tilespmem:s10], [sflag:$0x1], $0x3200, $0x38;
	[tilespmem:$0x1F400] =	vst v63  }
0x158: {  	s24 =	simm.s32 $0x0;
	_ =	swait.ge [sflag:s7], $0x3200  }
0x159: {  	s25 =	sand.u32 $0x40, s23;
	s26 =	sand.u32 $0x1FC00, s24;
	[sflag:s7] =	ssyncset.done $0x0  }
0x15a: {  	s15 =	sor.u32 s25, s26;
	[sflag:s7] =	ssyncadd.s32 $0xFFFFCE00  }
0x15b: {  	v0 =	vld [tilespmem:s15+$0x300];
	_ =	sdelay $0x3  }
0x15c: {  	s28 =	sor.u32 $0x10, s25;
	s15 =	simm.s32 $0x19000  }
0x15d: {  	s29 =	sor.u32 s28, s26;
	[tilespmem:s15+$0x0] =	vst v0  }
0x15e: {  	v0 =	vld [tilespmem:s29+$0x300];
	_ =	sdelay $0x1  }
0x15f: {  	s16 =	sand.u32 $0x3F80, s23  }
0x160: {  	s20 =	sadd.s32 $0x19000, s16  }
0x161: {  	s30 =	sor.u32 $0x20, s25;
	s16 =	sor.u32 s28, s20  }
0x162: {  	s31 =	sor.u32 s30, s26;
	[tilespmem:s16+$0x0] =	vst v0  }
0x163: {  	v0 =	vld [tilespmem:s31+$0x300];
	_ =	sdelay $0x3  }
0x164: {  	s19 =	sor.u32 s30, s20;
	s21 =	sor.u32 $0x30, s25  }
0x165: {  	s17 =	sor.u32 s21, s26;
	[tilespmem:s19+$0x0] =	vst v0  }
0x166: {  	v0 =	vld [tilespmem:s17+$0x300];
	_ =	sdelay $0x1  }
0x167: {  	s18 =	simm.s32 $0x800;
	s16 =	simm.s32 $0x40  }
0x168: {  	s22 =	simm.s32 $0x200;
	s19 =	simm.s32 $0x80;
	s17 =	sand.u32 $0x40, s16  }
.LBB2_17:
0x169: {  	p0 =	sne.s32 s19, $0x31C0;
	s22 =	sand.u32 $0x1FC00, s22;
	s20 =	sor.u32 s21, s20  }
0x16a: {  	s21 =	sor.u32 s17, s22;
	[tilespmem:s20+$0x0] =	vst v0  }
0x16b: {  	v0 =	vld [tilespmem:s21+$0x300];
	_ =	sdelay $0x3  }
0x16c: {  	s15 =	sadd.s32 $0x40, s15;
	s21 =	sor.u32 $0x10, s17  }
0x16d: {  	s20 =	sor.u32 s21, s22;
	[tilespmem:s15+$0x0] =	vst v0  }
0x16e: {  	v0 =	vld [tilespmem:s20+$0x300];
	_ =	sdelay $0x1  }
0x16f: {  	s20 =	sand.u32 $0x3F80, s16;
	s16 =	smov.u32 s19  }
0x170: {  	s20 =	sadd.s32 $0x19000, s20  }
0x171: {  	s23 =	sor.u32 $0x20, s17;
	s21 =	sor.u32 s21, s20  }
0x172: {  	[tilespmem:s21+$0x0] =	vst v0;
	s21 =	sor.u32 s23, s22  }
0x173: {  	v0 =	vld [tilespmem:s21+$0x300];
	_ =	sdelay $0x3  }
0x174: {  	s23 =	sor.u32 s23, s20;
	s21 =	sor.u32 $0x30, s17  }
.Ltmp12:
0x175: {  	s17 =	sor.u32 s21, s22;
	[tilespmem:s23+$0x0] =	vst v0;
	(pc) =	sbr.rel @p0 .LBB2_17-.Ltmp12, $3  }
0x176: {  	v0 =	vld [tilespmem:s17+$0x300];
	_ =	sdelay $0x1  }
0x177: {  	s18 =	sadd.s32 $0x800, s18  }
0x178: {  	s19 =	sadd.s32 $0x40, s19;
	s22 =	sshrl.u32 s18, $0x2;
	s17 =	sand.u32 $0x40, s16  }
0x179: {  	s18 =	sand.u32 $0x1FC00, s22;
	s19 =	sor.u32 s21, s20  }
0x17a: {  	s24 =	sor.u32 s17, s18;
	[tilespmem:s19+$0x0] =	vst v0  }
0x17b: {  	v0 =	vld [tilespmem:s24+$0x300];
	_ =	sdelay $0x3  }
0x17c: {  	s25 =	sor.u32 $0x10, s17;
	s15 =	sadd.s32 $0x40, s15  }
0x17d: {  	s26 =	sor.u32 s25, s18;
	[tilespmem:s15+$0x0] =	vst v0  }
0x17e: {  	v0 =	vld [tilespmem:s26+$0x300];
	_ =	sdelay $0x1  }
0x17f: {  	s28 =	sand.u32 $0x3F80, s16  }
0x180: {  	s15 =	sadd.s32 $0x19000, s28  }
0x181: {  	s30 =	sor.u32 $0x20, s17;
	s29 =	sor.u32 s25, s15  }
0x182: {  	s31 =	sor.u32 s30, s18;
	[tilespmem:s29+$0x0] =	vst v0  }
0x183: {  	v0 =	vld [tilespmem:s31+$0x300];
	_ =	sdelay $0x3  }
0x184: {  	s20 =	sor.u32 $0x30, s17;
	s19 =	sor.u32 s30, s15  }
0x185: {  	s21 =	sor.u32 s20, s18;
	[tilespmem:s19+$0x0] =	vst v0  }
0x186: {  	v0 =	vld [tilespmem:s21+$0x300];
	_ =	sdelay $0x3  }
0x187: {  	s15 =	sor.u32 s20, s15  }
0x188: {  	s22 =	sadd.s32 $0xB71B0, s14;
	s23 =	simm.s32 $0x0;
	[tilespmem:s15+$0x0] =	vst v0  }
0x189: {  	[hbm4b:s22+s23] =	stream.linear.scatter [tilespmem:s9], [sflag:$0x1], $0x3200, $0x38;
	[tilespmem:$0x1F400] =	vst v63  }
0x18a: {  	s24 =	simm.s32 $0x0;
	_ =	swait.ge [sflag:s7], $0x3200  }
0x18b: {  	s25 =	sand.u32 $0x40, s23;
	s26 =	sand.u32 $0x1FC00, s24;
	[sflag:s7] =	ssyncset.done $0x0  }
0x18c: {  	s15 =	sor.u32 s25, s26;
	[sflag:s7] =	ssyncadd.s32 $0xFFFFCE00  }
0x18d: {  	v0 =	vld [tilespmem:s15+$0x380];
	_ =	sdelay $0x3  }
0x18e: {  	s28 =	sor.u32 $0x10, s25;
	s15 =	simm.s32 $0x1C200  }
0x18f: {  	s29 =	sor.u32 s28, s26;
	[tilespmem:s15+$0x0] =	vst v0  }
0x190: {  	v0 =	vld [tilespmem:s29+$0x380];
	_ =	sdelay $0x1  }
0x191: {  	s16 =	sand.u32 $0x3F80, s23  }
0x192: {  	s20 =	sadd.s32 $0x1C200, s16  }
0x193: {  	s30 =	sor.u32 $0x20, s25;
	s16 =	sor.u32 s28, s20  }
0x194: {  	s31 =	sor.u32 s30, s26;
	[tilespmem:s16+$0x0] =	vst v0  }
0x195: {  	v0 =	vld [tilespmem:s31+$0x380];
	_ =	sdelay $0x3  }
0x196: {  	s19 =	sor.u32 s30, s20;
	s21 =	sor.u32 $0x30, s25  }
0x197: {  	s17 =	sor.u32 s21, s26;
	[tilespmem:s19+$0x0] =	vst v0  }
0x198: {  	v0 =	vld [tilespmem:s17+$0x380];
	_ =	sdelay $0x1  }
0x199: {  	s18 =	simm.s32 $0x800;
	s16 =	simm.s32 $0x40  }
0x19a: {  	s22 =	simm.s32 $0x200;
	s19 =	simm.s32 $0x80;
	s17 =	sand.u32 $0x40, s16  }
.LBB2_19:
0x19b: {  	p0 =	sne.s32 s19, $0x31C0;
	s22 =	sand.u32 $0x1FC00, s22;
	s20 =	sor.u32 s21, s20  }
0x19c: {  	s21 =	sor.u32 s17, s22;
	[tilespmem:s20+$0x0] =	vst v0  }
0x19d: {  	v0 =	vld [tilespmem:s21+$0x380];
	_ =	sdelay $0x3  }
0x19e: {  	s15 =	sadd.s32 $0x40, s15;
	s21 =	sor.u32 $0x10, s17  }
0x19f: {  	s20 =	sor.u32 s21, s22;
	[tilespmem:s15+$0x0] =	vst v0  }
0x1a0: {  	v0 =	vld [tilespmem:s20+$0x380];
	_ =	sdelay $0x1  }
0x1a1: {  	s20 =	sand.u32 $0x3F80, s16;
	s16 =	smov.u32 s19  }
0x1a2: {  	s20 =	sadd.s32 $0x1C200, s20  }
0x1a3: {  	s23 =	sor.u32 $0x20, s17;
	s21 =	sor.u32 s21, s20  }
0x1a4: {  	[tilespmem:s21+$0x0] =	vst v0;
	s21 =	sor.u32 s23, s22  }
0x1a5: {  	v0 =	vld [tilespmem:s21+$0x380];
	_ =	sdelay $0x3  }
0x1a6: {  	s23 =	sor.u32 s23, s20;
	s21 =	sor.u32 $0x30, s17  }
.Ltmp13:
0x1a7: {  	s17 =	sor.u32 s21, s22;
	[tilespmem:s23+$0x0] =	vst v0;
	(pc) =	sbr.rel @p0 .LBB2_19-.Ltmp13, $3  }
0x1a8: {  	v0 =	vld [tilespmem:s17+$0x380];
	_ =	sdelay $0x1  }
0x1a9: {  	s18 =	sadd.s32 $0x800, s18  }
0x1aa: {  	s19 =	sadd.s32 $0x40, s19;
	s22 =	sshrl.u32 s18, $0x2;
	s17 =	sand.u32 $0x40, s16  }
0x1ab: {  	s18 =	sand.u32 $0x1FC00, s22;
	s19 =	sor.u32 s21, s20  }
0x1ac: {  	s21 =	sor.u32 s17, s18;
	[tilespmem:s19+$0x0] =	vst v0  }
0x1ad: {  	v0 =	vld [tilespmem:s21+$0x380];
	_ =	sdelay $0x3  }
0x1ae: {  	s22 =	sor.u32 $0x10, s17;
	s15 =	sadd.s32 $0x40, s15  }
0x1af: {  	s23 =	sor.u32 s22, s18;
	[tilespmem:s15+$0x0] =	vst v0  }
0x1b0: {  	v0 =	vld [tilespmem:s23+$0x380];
	_ =	sdelay $0x1  }
0x1b1: {  	s24 =	sand.u32 $0x3F80, s16  }
0x1b2: {  	s15 =	sadd.s32 $0x1C200, s24  }
0x1b3: {  	s26 =	sor.u32 $0x20, s17;
	s25 =	sor.u32 s22, s15  }
0x1b4: {  	s28 =	sor.u32 s26, s18;
	[tilespmem:s25+$0x0] =	vst v0  }
0x1b5: {  	v0 =	vld [tilespmem:s28+$0x380];
	_ =	sdelay $0x3  }
0x1b6: {  	s30 =	sor.u32 $0x30, s17;
	s29 =	sor.u32 s26, s15  }
0x1b7: {  	s31 =	sor.u32 s30, s18;
	[tilespmem:s29+$0x0] =	vst v0  }
0x1b8: {  	v0 =	vld [tilespmem:s31+$0x380];
	_ =	sdelay $0x3  }
0x1b9: {  	s15 =	sor.u32 s30, s15  }
0x1ba: {  	s14 =	sadd.s32 $0xD59F8, s14;
	[tilespmem:s15+$0x0] =	vst v0  }
0x1bb: {  	[hbm4b:s14+s3] =	stream.linear.scatter [tilespmem:s10], [sflag:$0x1], $0x3200, $0x38;
	[tilespmem:$0x1F400] =	vst v63  }
0x1bc: {  	_ =	swait.ge [sflag:s7], $0x3200  }
.Ltmp14:
0x1bd: {  	[sflag:s7] =	ssyncset.done $0x0;
	(pc) =	sbr.rel .LBB2_38-.Ltmp14, $4  }
0x1be: {  	[sflag:s7] =	ssyncadd.s32 $0xFFFFCE00  }
0x1bf: {  	_ =	swait.ge [sflag:s7], $0x3200  }
0x1c0: {  	[sflag:s7] =	ssyncset.done $0x0  }
0x1c1: {  	[sflag:s7] =	ssyncadd.s32 $0xFFFFCE00  }
.LBB2_21:
0x1c2: {  	_ = 	snop  }
0x1c3: {  	s15 =	sshrl.u32 s16, $0x3  }
0x1c4: {  	s15 =	sadd.s32 s1, s15  }
0x1c5: {  	s28 =	simm.s32 $0x0;
	s15 =	sadd.s32 $0xF3C00, s15  }
0x1c6: {  	[tilespmem:s28], [sflag:$0x3] =	stream.linear.gather [hbm4b:s15+s28], $0x3000, $0x38;
	[tilespmem:$0x1F400] =	vst v63  }
0x1c7: {  	s29 =	sand.u32 $0xF000, s28;
	_ =	swait.ge [sflag:s8], $0x3000  }
0x1c8: {  	s16 =	sand.u32 $0x70, s28;
	s15 =	sshrl.u32 s29, $0x2;
	[sflag:s8] =	ssyncset.done $0x0  }
0x1c9: {  	s15 =	sor.u32 s16, s15;
	[sflag:s8] =	ssyncadd.s32 $0xFFFFD000  }
0x1ca: {  	v0 =	vld [tilespmem:s15+$0x0];
	_ =	sdelay $0x1  }
0x1cb: {  	s30 =	simm.s32 $0x200  }
0x1cc: {  	s31 =	simm.s32 $0x10;
	s17 =	sand.u32 $0xF000, s30  }
0x1cd: {  	s17 =	sshrl.u32 s17, $0x2;
	s16 =	sand.u32 $0x70, s31;
	s15 =	simm.s32 $0x19000  }
0x1ce: {  	s17 =	sor.u32 s16, s17;
	[tilespmem:s15+$0x0] =	vst v0  }
0x1cf: {  	v0 =	vld [tilespmem:s17+$0x0]  }
0x1d0: {  	s16 =	simm.s32 $0x20;
	s17 =	simm.s32 $0x400  }
.LBB2_22:
0x1d1: {  	s18 =	sand.u32 $0xF000, s17;
	p0 =	sne.s32 s16, $0x5F0  }
0x1d2: {  	s19 =	smov.u32 s16;
	s16 =	sadd.s32 $0x10, s16;
	s15 =	sadd.s32 $0x10, s15  }
.Ltmp15:
0x1d3: {  	s19 =	sand.u32 $0x70, s19;
	s18 =	sshrl.u32 s18, $0x2;
	(pc) =	sbr.rel @p0 .LBB2_22-.Ltmp15, $3  }
0x1d4: {  	s18 =	sor.u32 s19, s18;
	[tilespmem:s15+$0x0] =	vst v0  }
0x1d5: {  	v0 =	vld [tilespmem:s18+$0x0];
	_ =	sdelay $0x1  }
0x1d6: {  	s17 =	sadd.s32 $0x200, s17  }
0x1d7: {  	s14 =	smul.u32 $0x7A1200, s14;
	_ =	sdelay $0x1  }
0x1d8: {  	s14 =	sshrl.u32 s14, $0x3  }
0x1d9: {  	s15 =	sadd.s32 $0x10, s15;
	s14 =	sadd.s32 s2, s14  }
0x1da: {  	s17 =	simm.s32 $0x0;
	[tilespmem:s15+$0x0] =	vst v0;
	s15 =	simm.s32 $0x19000;
	s16 =	sadd.s32 $0x1E780, s14  }
0x1db: {  	[hbm4b:s16+s17] =	stream.linear.scatter [tilespmem:s15], [sflag:$0x3], $0x600, $0x38;
	[tilespmem:$0x1F400] =	vst v63  }
0x1dc: {  	s29 =	sand.u32 $0xF000, s17;
	_ =	swait.ge [sflag:s8], $0x600  }
0x1dd: {  	s17 =	sand.u32 $0x70, s17;
	s16 =	sshrl.u32 s29, $0x2;
	[sflag:s8] =	ssyncset.done $0x0  }
0x1de: {  	s16 =	sor.u32 s17, s16;
	[sflag:s8] =	ssyncadd.s32 $0xFFFFFA00  }
0x1df: {  	v0 =	vld [tilespmem:s16+$0x80];
	_ =	sdelay $0x1  }
0x1e0: {  	s30 =	simm.s32 $0x200  }
0x1e1: {  	s31 =	simm.s32 $0x10;
	s16 =	sand.u32 $0xF000, s30  }
0x1e2: {  	s17 =	sand.u32 $0x70, s31;
	s16 =	sshrl.u32 s16, $0x2  }
0x1e3: {  	s17 =	sor.u32 s17, s16;
	[tilespmem:s15+$0x0] =	vst v0  }
0x1e4: {  	v0 =	vld [tilespmem:s17+$0x80]  }
0x1e5: {  	s16 =	simm.s32 $0x20;
	s17 =	simm.s32 $0x400  }
.LBB2_24:
0x1e6: {  	s18 =	sand.u32 $0xF000, s17;
	p0 =	sne.s32 s16, $0x5F0  }
0x1e7: {  	s19 =	smov.u32 s16;
	s16 =	sadd.s32 $0x10, s16;
	s15 =	sadd.s32 $0x10, s15  }
.Ltmp16:
0x1e8: {  	s19 =	sand.u32 $0x70, s19;
	s18 =	sshrl.u32 s18, $0x2;
	(pc) =	sbr.rel @p0 .LBB2_24-.Ltmp16, $3  }
0x1e9: {  	s18 =	sor.u32 s19, s18;
	[tilespmem:s15+$0x0] =	vst v0  }
0x1ea: {  	v0 =	vld [tilespmem:s18+$0x80];
	_ =	sdelay $0x1  }
0x1eb: {  	s17 =	sadd.s32 $0x200, s17  }
0x1ec: {  	_ = 	snop  }
0x1ed: {  	s15 =	sadd.s32 $0x10, s15  }
0x1ee: {  	s16 =	sadd.s32 $0x3CFC8, s14;
	s17 =	simm.s32 $0x0;
	[tilespmem:s15+$0x0] =	vst v0;
	s15 =	simm.s32 $0x19000  }
0x1ef: {  	[hbm4b:s16+s17] =	stream.linear.scatter [tilespmem:s15], [sflag:$0x3], $0x600, $0x38;
	[tilespmem:$0x1F400] =	vst v63  }
0x1f0: {  	s29 =	sand.u32 $0xF000, s17;
	_ =	swait.ge [sflag:s8], $0x600  }
0x1f1: {  	s17 =	sand.u32 $0x70, s17;
	s16 =	sshrl.u32 s29, $0x2;
	[sflag:s8] =	ssyncset.done $0x0  }
0x1f2: {  	s16 =	sor.u32 s17, s16;
	[sflag:s8] =	ssyncadd.s32 $0xFFFFFA00  }
0x1f3: {  	v0 =	vld [tilespmem:s16+$0x100];
	_ =	sdelay $0x1  }
0x1f4: {  	s30 =	simm.s32 $0x200  }
0x1f5: {  	s31 =	simm.s32 $0x10;
	s16 =	sand.u32 $0xF000, s30  }
0x1f6: {  	s17 =	sand.u32 $0x70, s31;
	s16 =	sshrl.u32 s16, $0x2  }
0x1f7: {  	s17 =	sor.u32 s17, s16;
	[tilespmem:s15+$0x0] =	vst v0  }
0x1f8: {  	v0 =	vld [tilespmem:s17+$0x100]  }
0x1f9: {  	s16 =	simm.s32 $0x20;
	s17 =	simm.s32 $0x400  }
.LBB2_26:
0x1fa: {  	s18 =	sand.u32 $0xF000, s17;
	p0 =	sne.s32 s16, $0x5F0  }
0x1fb: {  	s19 =	smov.u32 s16;
	s16 =	sadd.s32 $0x10, s16;
	s15 =	sadd.s32 $0x10, s15  }
.Ltmp17:
0x1fc: {  	s19 =	sand.u32 $0x70, s19;
	s18 =	sshrl.u32 s18, $0x2;
	(pc) =	sbr.rel @p0 .LBB2_26-.Ltmp17, $3  }
0x1fd: {  	s18 =	sor.u32 s19, s18;
	[tilespmem:s15+$0x0] =	vst v0  }
0x1fe: {  	v0 =	vld [tilespmem:s18+$0x100];
	_ =	sdelay $0x1  }
0x1ff: {  	s17 =	sadd.s32 $0x200, s17  }
0x200: {  	_ = 	snop  }
0x201: {  	s15 =	sadd.s32 $0x10, s15  }
0x202: {  	s16 =	sadd.s32 $0x5B810, s14;
	s17 =	simm.s32 $0x0;
	[tilespmem:s15+$0x0] =	vst v0;
	s15 =	simm.s32 $0x19000  }
0x203: {  	[hbm4b:s16+s17] =	stream.linear.scatter [tilespmem:s15], [sflag:$0x3], $0x600, $0x38;
	[tilespmem:$0x1F400] =	vst v63  }
0x204: {  	s29 =	sand.u32 $0xF000, s17;
	_ =	swait.ge [sflag:s8], $0x600  }
0x205: {  	s17 =	sand.u32 $0x70, s17;
	s16 =	sshrl.u32 s29, $0x2;
	[sflag:s8] =	ssyncset.done $0x0  }
0x206: {  	s16 =	sor.u32 s17, s16;
	[sflag:s8] =	ssyncadd.s32 $0xFFFFFA00  }
0x207: {  	v0 =	vld [tilespmem:s16+$0x180];
	_ =	sdelay $0x1  }
0x208: {  	s30 =	simm.s32 $0x200  }
0x209: {  	s31 =	simm.s32 $0x10;
	s16 =	sand.u32 $0xF000, s30  }
0x20a: {  	s17 =	sand.u32 $0x70, s31;
	s16 =	sshrl.u32 s16, $0x2  }
0x20b: {  	s17 =	sor.u32 s17, s16;
	[tilespmem:s15+$0x0] =	vst v0  }
0x20c: {  	v0 =	vld [tilespmem:s17+$0x180]  }
0x20d: {  	s16 =	simm.s32 $0x20;
	s17 =	simm.s32 $0x400  }
.LBB2_28:
0x20e: {  	s18 =	sand.u32 $0xF000, s17;
	p0 =	sne.s32 s16, $0x5F0  }
0x20f: {  	s19 =	smov.u32 s16;
	s16 =	sadd.s32 $0x10, s16;
	s15 =	sadd.s32 $0x10, s15  }
.Ltmp18:
0x210: {  	s19 =	sand.u32 $0x70, s19;
	s18 =	sshrl.u32 s18, $0x2;
	(pc) =	sbr.rel @p0 .LBB2_28-.Ltmp18, $3  }
0x211: {  	s18 =	sor.u32 s19, s18;
	[tilespmem:s15+$0x0] =	vst v0  }
0x212: {  	v0 =	vld [tilespmem:s18+$0x180];
	_ =	sdelay $0x1  }
0x213: {  	s17 =	sadd.s32 $0x200, s17  }
0x214: {  	_ = 	snop  }
0x215: {  	s15 =	sadd.s32 $0x10, s15  }
0x216: {  	s16 =	sadd.s32 $0x7A058, s14;
	s17 =	simm.s32 $0x0;
	[tilespmem:s15+$0x0] =	vst v0;
	s15 =	simm.s32 $0x19000  }
0x217: {  	[hbm4b:s16+s17] =	stream.linear.scatter [tilespmem:s15], [sflag:$0x3], $0x600, $0x38;
	[tilespmem:$0x1F400] =	vst v63  }
0x218: {  	s29 =	sand.u32 $0xF000, s17;
	_ =	swait.ge [sflag:s8], $0x600  }
0x219: {  	s17 =	sand.u32 $0x70, s17;
	s16 =	sshrl.u32 s29, $0x2;
	[sflag:s8] =	ssyncset.done $0x0  }
0x21a: {  	s16 =	sor.u32 s17, s16;
	[sflag:s8] =	ssyncadd.s32 $0xFFFFFA00  }
0x21b: {  	v0 =	vld [tilespmem:s16+$0x200];
	_ =	sdelay $0x1  }
0x21c: {  	s30 =	simm.s32 $0x200  }
0x21d: {  	s31 =	simm.s32 $0x10;
	s16 =	sand.u32 $0xF000, s30  }
0x21e: {  	s17 =	sand.u32 $0x70, s31;
	s16 =	sshrl.u32 s16, $0x2  }
0x21f: {  	s17 =	sor.u32 s17, s16;
	[tilespmem:s15+$0x0] =	vst v0  }
0x220: {  	v0 =	vld [tilespmem:s17+$0x200]  }
0x221: {  	s16 =	simm.s32 $0x20;
	s17 =	simm.s32 $0x400  }
.LBB2_30:
0x222: {  	s18 =	sand.u32 $0xF000, s17;
	p0 =	sne.s32 s16, $0x5F0  }
0x223: {  	s19 =	smov.u32 s16;
	s16 =	sadd.s32 $0x10, s16;
	s15 =	sadd.s32 $0x10, s15  }
.Ltmp19:
0x224: {  	s19 =	sand.u32 $0x70, s19;
	s18 =	sshrl.u32 s18, $0x2;
	(pc) =	sbr.rel @p0 .LBB2_30-.Ltmp19, $3  }
0x225: {  	s18 =	sor.u32 s19, s18;
	[tilespmem:s15+$0x0] =	vst v0  }
0x226: {  	v0 =	vld [tilespmem:s18+$0x200];
	_ =	sdelay $0x1  }
0x227: {  	s17 =	sadd.s32 $0x200, s17  }
0x228: {  	_ = 	snop  }
0x229: {  	s15 =	sadd.s32 $0x10, s15  }
0x22a: {  	s16 =	sadd.s32 $0x988A0, s14;
	s17 =	simm.s32 $0x0;
	[tilespmem:s15+$0x0] =	vst v0;
	s15 =	simm.s32 $0x19000  }
0x22b: {  	[hbm4b:s16+s17] =	stream.linear.scatter [tilespmem:s15], [sflag:$0x3], $0x600, $0x38;
	[tilespmem:$0x1F400] =	vst v63  }
0x22c: {  	s29 =	sand.u32 $0xF000, s17;
	_ =	swait.ge [sflag:s8], $0x600  }
0x22d: {  	s17 =	sand.u32 $0x70, s17;
	s16 =	sshrl.u32 s29, $0x2;
	[sflag:s8] =	ssyncset.done $0x0  }
0x22e: {  	s16 =	sor.u32 s17, s16;
	[sflag:s8] =	ssyncadd.s32 $0xFFFFFA00  }
0x22f: {  	v0 =	vld [tilespmem:s16+$0x280];
	_ =	sdelay $0x1  }
0x230: {  	s30 =	simm.s32 $0x200  }
0x231: {  	s31 =	simm.s32 $0x10;
	s16 =	sand.u32 $0xF000, s30  }
0x232: {  	s17 =	sand.u32 $0x70, s31;
	s16 =	sshrl.u32 s16, $0x2  }
0x233: {  	s17 =	sor.u32 s17, s16;
	[tilespmem:s15+$0x0] =	vst v0  }
0x234: {  	v0 =	vld [tilespmem:s17+$0x280]  }
0x235: {  	s16 =	simm.s32 $0x20;
	s17 =	simm.s32 $0x400  }
.LBB2_32:
0x236: {  	s18 =	sand.u32 $0xF000, s17;
	p0 =	sne.s32 s16, $0x5F0  }
0x237: {  	s19 =	smov.u32 s16;
	s16 =	sadd.s32 $0x10, s16;
	s15 =	sadd.s32 $0x10, s15  }
.Ltmp20:
0x238: {  	s19 =	sand.u32 $0x70, s19;
	s18 =	sshrl.u32 s18, $0x2;
	(pc) =	sbr.rel @p0 .LBB2_32-.Ltmp20, $3  }
0x239: {  	s18 =	sor.u32 s19, s18;
	[tilespmem:s15+$0x0] =	vst v0  }
0x23a: {  	v0 =	vld [tilespmem:s18+$0x280];
	_ =	sdelay $0x1  }
0x23b: {  	s17 =	sadd.s32 $0x200, s17  }
0x23c: {  	_ = 	snop  }
0x23d: {  	s15 =	sadd.s32 $0x10, s15  }
0x23e: {  	s16 =	sadd.s32 $0xB70E8, s14;
	s17 =	simm.s32 $0x0;
	[tilespmem:s15+$0x0] =	vst v0;
	s15 =	simm.s32 $0x19000  }
0x23f: {  	[hbm4b:s16+s17] =	stream.linear.scatter [tilespmem:s15], [sflag:$0x3], $0x600, $0x38;
	[tilespmem:$0x1F400] =	vst v63  }
0x240: {  	s29 =	sand.u32 $0xF000, s17;
	_ =	swait.ge [sflag:s8], $0x600  }
0x241: {  	s17 =	sand.u32 $0x70, s17;
	s16 =	sshrl.u32 s29, $0x2;
	[sflag:s8] =	ssyncset.done $0x0  }
0x242: {  	s16 =	sor.u32 s17, s16;
	[sflag:s8] =	ssyncadd.s32 $0xFFFFFA00  }
0x243: {  	v0 =	vld [tilespmem:s16+$0x300];
	_ =	sdelay $0x1  }
0x244: {  	s30 =	simm.s32 $0x200  }
0x245: {  	s31 =	simm.s32 $0x10;
	s16 =	sand.u32 $0xF000, s30  }
0x246: {  	s17 =	sand.u32 $0x70, s31;
	s16 =	sshrl.u32 s16, $0x2  }
0x247: {  	s17 =	sor.u32 s17, s16;
	[tilespmem:s15+$0x0] =	vst v0  }
0x248: {  	v0 =	vld [tilespmem:s17+$0x300]  }
0x249: {  	s16 =	simm.s32 $0x20;
	s17 =	simm.s32 $0x400  }
.LBB2_34:
0x24a: {  	s18 =	sand.u32 $0xF000, s17;
	p0 =	sne.s32 s16, $0x5F0  }
0x24b: {  	s19 =	smov.u32 s16;
	s16 =	sadd.s32 $0x10, s16;
	s15 =	sadd.s32 $0x10, s15  }
.Ltmp21:
0x24c: {  	s19 =	sand.u32 $0x70, s19;
	s18 =	sshrl.u32 s18, $0x2;
	(pc) =	sbr.rel @p0 .LBB2_34-.Ltmp21, $3  }
0x24d: {  	s18 =	sor.u32 s19, s18;
	[tilespmem:s15+$0x0] =	vst v0  }
0x24e: {  	v0 =	vld [tilespmem:s18+$0x300];
	_ =	sdelay $0x1  }
0x24f: {  	s17 =	sadd.s32 $0x200, s17  }
0x250: {  	_ = 	snop  }
0x251: {  	s15 =	sadd.s32 $0x10, s15  }
0x252: {  	s16 =	sadd.s32 $0xD5930, s14;
	s17 =	simm.s32 $0x0;
	[tilespmem:s15+$0x0] =	vst v0;
	s15 =	simm.s32 $0x19000  }
0x253: {  	[hbm4b:s16+s17] =	stream.linear.scatter [tilespmem:s15], [sflag:$0x3], $0x600, $0x38;
	[tilespmem:$0x1F400] =	vst v63  }
0x254: {  	s29 =	sand.u32 $0xF000, s17;
	_ =	swait.ge [sflag:s8], $0x600  }
0x255: {  	s17 =	sand.u32 $0x70, s17;
	s16 =	sshrl.u32 s29, $0x2;
	[sflag:s8] =	ssyncset.done $0x0  }
0x256: {  	s16 =	sor.u32 s17, s16;
	[sflag:s8] =	ssyncadd.s32 $0xFFFFFA00  }
0x257: {  	v0 =	vld [tilespmem:s16+$0x380];
	_ =	sdelay $0x1  }
0x258: {  	s30 =	simm.s32 $0x200  }
0x259: {  	s31 =	simm.s32 $0x10;
	s16 =	sand.u32 $0xF000, s30  }
0x25a: {  	s17 =	sand.u32 $0x70, s31;
	s16 =	sshrl.u32 s16, $0x2  }
0x25b: {  	s17 =	sor.u32 s17, s16;
	[tilespmem:s15+$0x0] =	vst v0  }
0x25c: {  	v0 =	vld [tilespmem:s17+$0x380]  }
0x25d: {  	s16 =	simm.s32 $0x20;
	s17 =	simm.s32 $0x400  }
.LBB2_36:
0x25e: {  	s18 =	sand.u32 $0xF000, s17;
	p0 =	sne.s32 s16, $0x5F0  }
0x25f: {  	s19 =	smov.u32 s16;
	s16 =	sadd.s32 $0x10, s16;
	s15 =	sadd.s32 $0x10, s15  }
.Ltmp22:
0x260: {  	s19 =	sand.u32 $0x70, s19;
	s18 =	sshrl.u32 s18, $0x2;
	(pc) =	sbr.rel @p0 .LBB2_36-.Ltmp22, $3  }
0x261: {  	s18 =	sor.u32 s19, s18;
	[tilespmem:s15+$0x0] =	vst v0  }
0x262: {  	v0 =	vld [tilespmem:s18+$0x380];
	_ =	sdelay $0x1  }
0x263: {  	s17 =	sadd.s32 $0x200, s17  }
.Ltmp23:
0x264: {  	_ = 	snop;
	(pc) =	sbr.rel .LBB2_37-.Ltmp23, $1  }
0x265: {  	_ =	sdelay $0x3  }
.LBB2_40:
0x266: {  	_ =	sfence.sel $0x180000  }
0x267: {  	[bflag:$0x0] =	sbarrier.arrive $0xFFFF  }
0x268: {  	p0 =	sne.s32 s4, $0x0;
	_ =	strace $0x90000047  }
0x269: {  	s0 =	sadd.s32 @!p0 $0x100000, s0;
	[bflag:$0x2] =	sbarrier.arrive $0xFFFF  }
0x26a: {  	[sflag:s0] =	ssyncadd.tile.s32 @!p0 $0x1;
	_ =	shalt  }
.Lfunc_end2:
_tile_overlayer_lowered:
.L_overlay_start_2:
0x26b: {  	(tag) =	ssettag $0x2  }
0x26c: {  	s0 =	rddreg [dreg:$0x0];
	s2 =	stileid.u32  }
0x26d: {  	s1 =	rddreg [dreg:$0x1];
	p0 =	sne.s32 s2, $0x0  }
0x26e: {  	s3 =	rddreg [dreg:$0x2];
	[bflag:$0x3] =	sbarrier.arrive $0xFFFF;
	s2 =	simm.s32 @!p0 $0x1C02  }
0x26f: {  	[timem:s3], [sflag:s2] =	dma.local @!p0 [hbm:s0], s1  }
0x270: {  	s0 =	simm.s32 @!p0 $0x2  }
0x271: {  	_ =	swait.ge @!p0 [sflag:s0], s1  }
0x272: {  	s1 =	ssub.s32 @!p0 $0x0, s1;
	[sflag:s0] =	ssyncset.done @!p0 $0x0  }
0x273: {  	[sflag:s0] =	ssyncadd.s32 @!p0 s1  }
0x274: {  	[bflag:$0x3] =	sbarrier.arrive $0xFFFF  }
0x275: {  	_ =	shalt  }

</sc_bundles>
